<compile_context>
chip_gen: v7x
topology: tpu7x:2x2x1
jax: 0.10.2.dev20260603
libtpu: 0.0.44.dev20260713+nightly
codegen_flags: <defaults>
</compile_context>

<pallas_src>
import functools

import jax
import jax.numpy as jnp
from jax import lax
from jax.experimental import pallas as pl
from jax.experimental.pallas import tpu as pltpu
from jax.experimental.pallas import tpu_sc as plsc

_D = 256
_S = 512
_MAXLEN = 1023
_TAB = 1016
_NW = 32
_RPW = _S // _NW

_mesh = plsc.VectorSubcoreMesh(core_axis_name="c", subcore_axis_name="s")


def _build_shifted_kernel(tab_ref, a_ref):
    val = tab_ref[...]
    row = jax.lax.broadcasted_iota(jnp.int32, (_MAXLEN + 1, _D), 0)
    for b in range(10):
        stride = 1 << b
        hi = (row >> b) & 1 == 1
        val = jnp.where(hi, pltpu.roll(val, stride, 0),
                        pltpu.roll(val, 1024 - stride, 0))
    for k in range(8):
        rolled = pltpu.roll(val, 1024 - (k + 1), 0)
        a_ref[k] = rolled[0:_TAB]


@functools.partial(
    pl.kernel,
    out_type=jax.ShapeDtypeStruct((_S, _S, _D), jnp.float32),
    mesh=_mesh,
    scratch_types=[
        pltpu.VMEM_SHARED((8, _TAB, _D), jnp.float32),
        pltpu.SemaphoreType.DMA,
    ],
)
def _rpe_sc(a_hbm, out_hbm, tab_spmem, sem):
    c = lax.axis_index("c")
    s = lax.axis_index("s")
    wid = s * 2 + c

    @pl.when(s < 8)
    def _stage_lo():
        pltpu.sync_copy(a_hbm.at[s, pl.ds(0, 512), :],
                        tab_spmem.at[s, pl.ds(0, 512), :])

    @pl.when(s >= 8)
    def _stage_hi():
        pltpu.sync_copy(a_hbm.at[s - 8, pl.ds(512, _TAB - 512), :],
                        tab_spmem.at[s - 8, pl.ds(512, _TAB - 512), :])

    plsc.subcore_barrier()

    copies = []
    for r in range(_RPW):
        g = wid * _RPW + r
        k = (7 - r) % 8
        start = (_S - 1) - g
        q8 = pl.multiple_of(start - k, 8)
        copies.append(
            pltpu.async_copy(tab_spmem.at[k, pl.ds(q8, _S), :],
                             out_hbm.at[g], sem)
        )
    for cp in copies:
        cp.wait()


def kernel(x, rel_embeddings):
    shifted = pl.pallas_call(
        _build_shifted_kernel,
        grid=(1,),
        in_specs=[pl.BlockSpec((_MAXLEN + 1, _D), lambda i: (0, 0))],
        out_specs=pl.BlockSpec((8, _TAB, _D), lambda i: (0, 0, 0)),
        out_shape=jax.ShapeDtypeStruct((8, _TAB, _D), jnp.float32),
    )(rel_embeddings)
    rel_pos = _rpe_sc(shifted)
    return (x, rel_pos)

# --- scband reference (transcript-rebuilt; emitter-appended) ---
"""Pipeline reference for scband-relative-positional-encoding-59708635349000 (READ-ONLY COPY).

The authoritative reference and input builder live on the scoring server;
editing this copy changes nothing except your own understanding.
"""

import jax, jax.numpy as jnp
import numpy as np
import math

D_MODEL = 256
MAX_LEN_PARAM = 512
MAX_LEN = MAX_LEN_PARAM * 2 - 1  # 1023
BATCH = 4
SEQ = 512


def _init_rel_embeddings():
    positions = jnp.arange(-(MAX_LEN // 2), MAX_LEN // 2 + 1, dtype=jnp.float32)
    div_term = jnp.exp(jnp.arange(0, D_MODEL, 2, dtype=jnp.float32) * (-math.log(10000.0) / D_MODEL))
    emb = jnp.zeros((MAX_LEN, D_MODEL), dtype=jnp.float32)
    emb = emb.at[:, 0::2].set(jnp.sin(positions[:, None] * div_term[None, :]))
    emb = emb.at[:, 1::2].set(jnp.cos(positions[:, None] * div_term[None, :]))
    return emb


def setup_inputs(seed: int = 0) -> dict:
    key = jax.random.key(seed)
    k_x = jax.random.fold_in(key, 1)
    x = jax.random.normal(k_x, (BATCH, SEQ, D_MODEL), dtype=jnp.float32)
    rel_embeddings = _init_rel_embeddings()
    return {"x": x, "rel_embeddings": rel_embeddings}


def reference(x, rel_embeddings):
    # Dropout in eval mode is the identity.
    seq_len = x.shape[1]
    pos_indices = jnp.arange(seq_len)
    rel_indices = pos_indices[:, None] - pos_indices[None, :]
    rel_indices = rel_indices + MAX_LEN // 2  # shift into [0, MAX_LEN)
    rel_pos_embeddings = jnp.take(rel_embeddings, rel_indices, axis=0)  # [S, S, d_model] gather
    return (x, rel_pos_embeddings)

if __name__ == "__main__":
    import jax
    _d = setup_inputs()
    print(jax.jit(kernel)(*tuple(_d.values())))

</pallas_src>

<mosaic_0001>
#map = affine_map<(d0, d1) -> (0, 0, 0)>
module attributes {stable_mosaic.version = 14 : i64} {
  func.func @_rpe_sc(%arg0: i32, %arg1: i32, %arg2: memref<8x1016x256xf32, #tpu.memory_space<hbm>>, %arg3: memref<512x512x256xf32, #tpu.memory_space<hbm>>, %arg4: memref<8x1016x256xf32, #tpu.memory_space<vmem_shared>>, %arg5: memref<!tpu.dma_semaphore, #tpu.memory_space<semaphore_mem>>) attributes {dimension_semantics = [#tpu.dimension_semantics<core_parallel>, #tpu.dimension_semantics<subcore_parallel>], iteration_bounds = array<i64: 2, 16>, scalar_prefetch = 0 : i64, scratch_operands = 2 : i64, tpu.core_type = #tpu.core_type<sc_vector_subcore>, window_params = [{transform_indices = #map}, {transform_indices = #map}]} {
    %mul3A = arith.constant 2 : i32
    %mul3A_0 = arith.muli %arg1, %mul3A : i32
    %add3A = arith.addi %mul3A_0, %arg0 : i32
    %lt3A = arith.constant 8 : i32
    %lt3A_1 = arith.cmpi slt, %arg1, %lt3A : i32
    %convert_element_type3A = arith.extui %lt3A_1 : i1 to i32
    %cond3A = arith.constant 0 : i32
    %cond3A_2 = arith.cmpi ne, %convert_element_type3A, %cond3A : i32
    scf.if %cond3A_2 {
      "tpu.region"() ({
        %run_scoped3A = tpu.sem_alloc : memref<!tpu.dma_semaphore, #tpu.memory_space<semaphore_mem>>
        %dma_start3A_403 = arith.constant 0 : i32
        %dma_start3A_404 = arith.constant 0 : i32
        %dma_start3A_405 = tpu.memref_slice %arg4[%arg1, %dma_start3A_403, %dma_start3A_404] : memref<8x1016x256xf32, #tpu.memory_space<vmem_shared>> -> memref<1x512x256xf32, #tpu.memory_space<vmem_shared>>
        %dma_start3A_406 = tpu.memref_squeeze %dma_start3A_405 : memref<1x512x256xf32, #tpu.memory_space<vmem_shared>> -> memref<512x256xf32, #tpu.memory_space<vmem_shared>>
        %dma_start3A_407 = arith.constant 0 : i32
        %dma_start3A_408 = arith.constant 0 : i32
        %dma_start3A_409 = tpu.memref_slice %arg2[%arg1, %dma_start3A_407, %dma_start3A_408] : memref<8x1016x256xf32, #tpu.memory_space<hbm>> -> memref<1x512x256xf32, #tpu.memory_space<hbm>>
        %dma_start3A_410 = tpu.memref_squeeze %dma_start3A_409 : memref<1x512x256xf32, #tpu.memory_space<hbm>> -> memref<512x256xf32, #tpu.memory_space<hbm>>
        tpu.enqueue_dma source(%dma_start3A_410 : memref<512x256xf32, #tpu.memory_space<hbm>>) target(%dma_start3A_406 : memref<512x256xf32, #tpu.memory_space<vmem_shared>>) target_semaphore(%run_scoped3A : memref<!tpu.dma_semaphore, #tpu.memory_space<semaphore_mem>>)
        %dma_wait3A_411 = arith.constant 0 : i32
        %dma_wait3A_412 = arith.constant 0 : i32
        %dma_wait3A_413 = tpu.memref_slice %arg4[%arg1, %dma_wait3A_411, %dma_wait3A_412] : memref<8x1016x256xf32, #tpu.memory_space<vmem_shared>> -> memref<1x512x256xf32, #tpu.memory_space<vmem_shared>>
        %dma_wait3A_414 = tpu.memref_squeeze %dma_wait3A_413 : memref<1x512x256xf32, #tpu.memory_space<vmem_shared>> -> memref<512x256xf32, #tpu.memory_space<vmem_shared>>
        %dma_wait3A_415 = arith.constant 0 : i32
        %dma_wait3A_416 = arith.constant 0 : i32
        %dma_wait3A_417 = tpu.memref_slice %arg2[%arg1, %dma_wait3A_415, %dma_wait3A_416] : memref<8x1016x256xf32, #tpu.memory_space<hbm>> -> memref<1x512x256xf32, #tpu.memory_space<hbm>>
        %dma_wait3A_418 = tpu.memref_squeeze %dma_wait3A_417 : memref<1x512x256xf32, #tpu.memory_space<hbm>> -> memref<512x256xf32, #tpu.memory_space<hbm>>
        tpu.wait_dma2 semaphore(%run_scoped3A : memref<!tpu.dma_semaphore, #tpu.memory_space<semaphore_mem>>) src(%dma_wait3A_418 : memref<512x256xf32, #tpu.memory_space<hbm>>) dst(%dma_wait3A_414 : memref<512x256xf32, #tpu.memory_space<vmem_shared>>)
        tpu.yield
      }) : () -> ()
    } else {
    }
    %ge3A = arith.constant 8 : i32
    %ge3A_3 = arith.cmpi sge, %arg1, %ge3A : i32
    %convert_element_type3A_4 = arith.extui %ge3A_3 : i1 to i32
    %cond3A_5 = arith.constant 0 : i32
    %cond3A_6 = arith.cmpi ne, %convert_element_type3A_4, %cond3A_5 : i32
    scf.if %cond3A_6 {
      %sub3A_403 = arith.constant 8 : i32
      %sub3A_404 = arith.subi %arg1, %sub3A_403 : i32
      %sub3A_405 = arith.constant 8 : i32
      %sub3A_406 = arith.subi %arg1, %sub3A_405 : i32
      "tpu.region"() ({
        %run_scoped3A = tpu.sem_alloc : memref<!tpu.dma_semaphore, #tpu.memory_space<semaphore_mem>>
        %dma_start3A_407 = arith.constant 512 : i32
        %dma_start3A_408 = arith.constant 0 : i32
        %dma_start3A_409 = tpu.memref_slice %arg4[%sub3A_406, %dma_start3A_407, %dma_start3A_408] : memref<8x1016x256xf32, #tpu.memory_space<vmem_shared>> -> memref<1x504x256xf32, #tpu.memory_space<vmem_shared>>
        %dma_start3A_410 = tpu.memref_squeeze %dma_start3A_409 : memref<1x504x256xf32, #tpu.memory_space<vmem_shared>> -> memref<504x256xf32, #tpu.memory_space<vmem_shared>>
        %dma_start3A_411 = arith.constant 512 : i32
        %dma_start3A_412 = arith.constant 0 : i32
        %dma_start3A_413 = tpu.memref_slice %arg2[%sub3A_404, %dma_start3A_411, %dma_start3A_412] : memref<8x1016x256xf32, #tpu.memory_space<hbm>> -> memref<1x504x256xf32, #tpu.memory_space<hbm>>
        %dma_start3A_414 = tpu.memref_squeeze %dma_start3A_413 : memref<1x504x256xf32, #tpu.memory_space<hbm>> -> memref<504x256xf32, #tpu.memory_space<hbm>>
        tpu.enqueue_dma source(%dma_start3A_414 : memref<504x256xf32, #tpu.memory_space<hbm>>) target(%dma_start3A_410 : memref<504x256xf32, #tpu.memory_space<vmem_shared>>) target_semaphore(%run_scoped3A : memref<!tpu.dma_semaphore, #tpu.memory_space<semaphore_mem>>)
        %dma_wait3A_415 = arith.constant 512 : i32
        %dma_wait3A_416 = arith.constant 0 : i32
        %dma_wait3A_417 = tpu.memref_slice %arg4[%sub3A_406, %dma_wait3A_415, %dma_wait3A_416] : memref<8x1016x256xf32, #tpu.memory_space<vmem_shared>> -> memref<1x504x256xf32, #tpu.memory_space<vmem_shared>>
        %dma_wait3A_418 = tpu.memref_squeeze %dma_wait3A_417 : memref<1x504x256xf32, #tpu.memory_space<vmem_shared>> -> memref<504x256xf32, #tpu.memory_space<vmem_shared>>
        %dma_wait3A_419 = arith.constant 512 : i32
        %dma_wait3A_420 = arith.constant 0 : i32
        %dma_wait3A_421 = tpu.memref_slice %arg2[%sub3A_404, %dma_wait3A_419, %dma_wait3A_420] : memref<8x1016x256xf32, #tpu.memory_space<hbm>> -> memref<1x504x256xf32, #tpu.memory_space<hbm>>
        %dma_wait3A_422 = tpu.memref_squeeze %dma_wait3A_421 : memref<1x504x256xf32, #tpu.memory_space<hbm>> -> memref<504x256xf32, #tpu.memory_space<hbm>>
        tpu.wait_dma2 semaphore(%run_scoped3A : memref<!tpu.dma_semaphore, #tpu.memory_space<semaphore_mem>>) src(%dma_wait3A_422 : memref<504x256xf32, #tpu.memory_space<hbm>>) dst(%dma_wait3A_418 : memref<504x256xf32, #tpu.memory_space<vmem_shared>>)
        tpu.yield
      }) : () -> ()
    } else {
    }
    %barrier3A = arith.constant 0 : index
    tpu.barrier barrier_id(%barrier3A)
    %mul3A_7 = arith.constant 16 : i32
    %mul3A_8 = arith.muli %add3A, %mul3A_7 : i32
    %add3A_9 = arith.constant 0 : i32
    %add3A_10 = arith.addi %mul3A_8, %add3A_9 : i32
    %sub3A = arith.constant 511 : i32
    %sub3A_11 = arith.subi %sub3A, %add3A_10 : i32
    %sub3A_12 = arith.constant 7 : i32
    %sub3A_13 = arith.subi %sub3A_11, %sub3A_12 : i32
    %multiple_of3A = tpu.assume_multiple %sub3A_13, 8 : i32
    %dma_start3A = arith.constant 7 : i32
    %dma_start3A_14 = arith.constant 0 : i32
    %dma_start3A_15 = arith.constant 0 : i32
    %dma_start3A_16 = tpu.memref_slice %arg3[%add3A_10, %dma_start3A_14, %dma_start3A_15] : memref<512x512x256xf32, #tpu.memory_space<hbm>> -> memref<1x512x256xf32, #tpu.memory_space<hbm>>
    %dma_start3A_17 = tpu.memref_squeeze %dma_start3A_16 : memref<1x512x256xf32, #tpu.memory_space<hbm>> -> memref<512x256xf32, #tpu.memory_space<hbm>>
    %dma_start3A_18 = arith.constant 0 : i32
    %dma_start3A_19 = tpu.memref_slice %arg4[%dma_start3A, %multiple_of3A, %dma_start3A_18] : memref<8x1016x256xf32, #tpu.memory_space<vmem_shared>> -> memref<1x512x256xf32, #tpu.memory_space<vmem_shared>>
    %dma_start3A_20 = tpu.memref_squeeze %dma_start3A_19 : memref<1x512x256xf32, #tpu.memory_space<vmem_shared>> -> memref<512x256xf32, #tpu.memory_space<vmem_shared>>
    tpu.enqueue_dma source(%dma_start3A_20 : memref<512x256xf32, #tpu.memory_space<vmem_shared>>) target(%dma_start3A_17 : memref<512x256xf32, #tpu.memory_space<hbm>>) target_semaphore(%arg5 : memref<!tpu.dma_semaphore, #tpu.memory_space<semaphore_mem>>)
    %mul3A_21 = arith.constant 16 : i32
    %mul3A_22 = arith.muli %add3A, %mul3A_21 : i32
    %add3A_23 = arith.constant 1 : i32
    %add3A_24 = arith.addi %mul3A_22, %add3A_23 : i32
    %sub3A_25 = arith.constant 511 : i32
    %sub3A_26 = arith.subi %sub3A_25, %add3A_24 : i32
    %sub3A_27 = arith.constant 6 : i32
    %sub3A_28 = arith.subi %sub3A_26, %sub3A_27 : i32
    %multiple_of3A_29 = tpu.assume_multiple %sub3A_28, 8 : i32
    %dma_start3A_30 = arith.constant 6 : i32
    %dma_start3A_31 = arith.constant 0 : i32
    %dma_start3A_32 = arith.constant 0 : i32
    %dma_start3A_33 = tpu.memref_slice %arg3[%add3A_24, %dma_start3A_31, %dma_start3A_32] : memref<512x512x256xf32, #tpu.memory_space<hbm>> -> memref<1x512x256xf32, #tpu.memory_space<hbm>>
    %dma_start3A_34 = tpu.memref_squeeze %dma_start3A_33 : memref<1x512x256xf32, #tpu.memory_space<hbm>> -> memref<512x256xf32, #tpu.memory_space<hbm>>
    %dma_start3A_35 = arith.constant 0 : i32
    %dma_start3A_36 = tpu.memref_slice %arg4[%dma_start3A_30, %multiple_of3A_29, %dma_start3A_35] : memref<8x1016x256xf32, #tpu.memory_space<vmem_shared>> -> memref<1x512x256xf32, #tpu.memory_space<vmem_shared>>
    %dma_start3A_37 = tpu.memref_squeeze %dma_start3A_36 : memref<1x512x256xf32, #tpu.memory_space<vmem_shared>> -> memref<512x256xf32, #tpu.memory_space<vmem_shared>>
    tpu.enqueue_dma source(%dma_start3A_37 : memref<512x256xf32, #tpu.memory_space<vmem_shared>>) target(%dma_start3A_34 : memref<512x256xf32, #tpu.memory_space<hbm>>) target_semaphore(%arg5 : memref<!tpu.dma_semaphore, #tpu.memory_space<semaphore_mem>>)
    %mul3A_38 = arith.constant 16 : i32
    %mul3A_39 = arith.muli %add3A, %mul3A_38 : i32
    %add3A_40 = arith.constant 2 : i32
    %add3A_41 = arith.addi %mul3A_39, %add3A_40 : i32
    %sub3A_42 = arith.constant 511 : i32
    %sub3A_43 = arith.subi %sub3A_42, %add3A_41 : i32
    %sub3A_44 = arith.constant 5 : i32
    %sub3A_45 = arith.subi %sub3A_43, %sub3A_44 : i32
    %multiple_of3A_46 = tpu.assume_multiple %sub3A_45, 8 : i32
    %dma_start3A_47 = arith.constant 5 : i32
    %dma_start3A_48 = arith.constant 0 : i32
    %dma_start3A_49 = arith.constant 0 : i32
    %dma_start3A_50 = tpu.memref_slice %arg3[%add3A_41, %dma_start3A_48, %dma_start3A_49] : memref<512x512x256xf32, #tpu.memory_space<hbm>> -> memref<1x512x256xf32, #tpu.memory_space<hbm>>
    %dma_start3A_51 = tpu.memref_squeeze %dma_start3A_50 : memref<1x512x256xf32, #tpu.memory_space<hbm>> -> memref<512x256xf32, #tpu.memory_space<hbm>>
    %dma_start3A_52 = arith.constant 0 : i32
    %dma_start3A_53 = tpu.memref_slice %arg4[%dma_start3A_47, %multiple_of3A_46, %dma_start3A_52] : memref<8x1016x256xf32, #tpu.memory_space<vmem_shared>> -> memref<1x512x256xf32, #tpu.memory_space<vmem_shared>>
    %dma_start3A_54 = tpu.memref_squeeze %dma_start3A_53 : memref<1x512x256xf32, #tpu.memory_space<vmem_shared>> -> memref<512x256xf32, #tpu.memory_space<vmem_shared>>
    tpu.enqueue_dma source(%dma_start3A_54 : memref<512x256xf32, #tpu.memory_space<vmem_shared>>) target(%dma_start3A_51 : memref<512x256xf32, #tpu.memory_space<hbm>>) target_semaphore(%arg5 : memref<!tpu.dma_semaphore, #tpu.memory_space<semaphore_mem>>)
    %mul3A_55 = arith.constant 16 : i32
    %mul3A_56 = arith.muli %add3A, %mul3A_55 : i32
    %add3A_57 = arith.constant 3 : i32
    %add3A_58 = arith.addi %mul3A_56, %add3A_57 : i32
    %sub3A_59 = arith.constant 511 : i32
    %sub3A_60 = arith.subi %sub3A_59, %add3A_58 : i32
    %sub3A_61 = arith.constant 4 : i32
    %sub3A_62 = arith.subi %sub3A_60, %sub3A_61 : i32
    %multiple_of3A_63 = tpu.assume_multiple %sub3A_62, 8 : i32
    %dma_start3A_64 = arith.constant 4 : i32
    %dma_start3A_65 = arith.constant 0 : i32
    %dma_start3A_66 = arith.constant 0 : i32
    %dma_start3A_67 = tpu.memref_slice %arg3[%add3A_58, %dma_start3A_65, %dma_start3A_66] : memref<512x512x256xf32, #tpu.memory_space<hbm>> -> memref<1x512x256xf32, #tpu.memory_space<hbm>>
    %dma_start3A_68 = tpu.memref_squeeze %dma_start3A_67 : memref<1x512x256xf32, #tpu.memory_space<hbm>> -> memref<512x256xf32, #tpu.memory_space<hbm>>
    %dma_start3A_69 = arith.constant 0 : i32
    %dma_start3A_70 = tpu.memref_slice %arg4[%dma_start3A_64, %multiple_of3A_63, %dma_start3A_69] : memref<8x1016x256xf32, #tpu.memory_space<vmem_shared>> -> memref<1x512x256xf32, #tpu.memory_space<vmem_shared>>
    %dma_start3A_71 = tpu.memref_squeeze %dma_start3A_70 : memref<1x512x256xf32, #tpu.memory_space<vmem_shared>> -> memref<512x256xf32, #tpu.memory_space<vmem_shared>>
    tpu.enqueue_dma source(%dma_start3A_71 : memref<512x256xf32, #tpu.memory_space<vmem_shared>>) target(%dma_start3A_68 : memref<512x256xf32, #tpu.memory_space<hbm>>) target_semaphore(%arg5 : memref<!tpu.dma_semaphore, #tpu.memory_space<semaphore_mem>>)
    %mul3A_72 = arith.constant 16 : i32
    %mul3A_73 = arith.muli %add3A, %mul3A_72 : i32
    %add3A_74 = arith.constant 4 : i32
    %add3A_75 = arith.addi %mul3A_73, %add3A_74 : i32
    %sub3A_76 = arith.constant 511 : i32
    %sub3A_77 = arith.subi %sub3A_76, %add3A_75 : i32
    %sub3A_78 = arith.constant 3 : i32
    %sub3A_79 = arith.subi %sub3A_77, %sub3A_78 : i32
    %multiple_of3A_80 = tpu.assume_multiple %sub3A_79, 8 : i32
    %dma_start3A_81 = arith.constant 3 : i32
    %dma_start3A_82 = arith.constant 0 : i32
    %dma_start3A_83 = arith.constant 0 : i32
    %dma_start3A_84 = tpu.memref_slice %arg3[%add3A_75, %dma_start3A_82, %dma_start3A_83] : memref<512x512x256xf32, #tpu.memory_space<hbm>> -> memref<1x512x256xf32, #tpu.memory_space<hbm>>
    %dma_start3A_85 = tpu.memref_squeeze %dma_start3A_84 : memref<1x512x256xf32, #tpu.memory_space<hbm>> -> memref<512x256xf32, #tpu.memory_space<hbm>>
    %dma_start3A_86 = arith.constant 0 : i32
    %dma_start3A_87 = tpu.memref_slice %arg4[%dma_start3A_81, %multiple_of3A_80, %dma_start3A_86] : memref<8x1016x256xf32, #tpu.memory_space<vmem_shared>> -> memref<1x512x256xf32, #tpu.memory_space<vmem_shared>>
    %dma_start3A_88 = tpu.memref_squeeze %dma_start3A_87 : memref<1x512x256xf32, #tpu.memory_space<vmem_shared>> -> memref<512x256xf32, #tpu.memory_space<vmem_shared>>
    tpu.enqueue_dma source(%dma_start3A_88 : memref<512x256xf32, #tpu.memory_space<vmem_shared>>) target(%dma_start3A_85 : memref<512x256xf32, #tpu.memory_space<hbm>>) target_semaphore(%arg5 : memref<!tpu.dma_semaphore, #tpu.memory_space<semaphore_mem>>)
    %mul3A_89 = arith.constant 16 : i32
    %mul3A_90 = arith.muli %add3A, %mul3A_89 : i32
    %add3A_91 = arith.constant 5 : i32
    %add3A_92 = arith.addi %mul3A_90, %add3A_91 : i32
    %sub3A_93 = arith.constant 511 : i32
    %sub3A_94 = arith.subi %sub3A_93, %add3A_92 : i32
    %sub3A_95 = arith.constant 2 : i32
    %sub3A_96 = arith.subi %sub3A_94, %sub3A_95 : i32
    %multiple_of3A_97 = tpu.assume_multiple %sub3A_96, 8 : i32
    %dma_start3A_98 = arith.constant 2 : i32
    %dma_start3A_99 = arith.constant 0 : i32
    %dma_start3A_100 = arith.constant 0 : i32
    %dma_start3A_101 = tpu.memref_slice %arg3[%add3A_92, %dma_start3A_99, %dma_start3A_100] : memref<512x512x256xf32, #tpu.memory_space<hbm>> -> memref<1x512x256xf32, #tpu.memory_space<hbm>>
    %dma_start3A_102 = tpu.memref_squeeze %dma_start3A_101 : memref<1x512x256xf32, #tpu.memory_space<hbm>> -> memref<512x256xf32, #tpu.memory_space<hbm>>
    %dma_start3A_103 = arith.constant 0 : i32
    %dma_start3A_104 = tpu.memref_slice %arg4[%dma_start3A_98, %multiple_of3A_97, %dma_start3A_103] : memref<8x1016x256xf32, #tpu.memory_space<vmem_shared>> -> memref<1x512x256xf32, #tpu.memory_space<vmem_shared>>
    %dma_start3A_105 = tpu.memref_squeeze %dma_start3A_104 : memref<1x512x256xf32, #tpu.memory_space<vmem_shared>> -> memref<512x256xf32, #tpu.memory_space<vmem_shared>>
    tpu.enqueue_dma source(%dma_start3A_105 : memref<512x256xf32, #tpu.memory_space<vmem_shared>>) target(%dma_start3A_102 : memref<512x256xf32, #tpu.memory_space<hbm>>) target_semaphore(%arg5 : memref<!tpu.dma_semaphore, #tpu.memory_space<semaphore_mem>>)
    %mul3A_106 = arith.constant 16 : i32
    %mul3A_107 = arith.muli %add3A, %mul3A_106 : i32
    %add3A_108 = arith.constant 6 : i32
    %add3A_109 = arith.addi %mul3A_107, %add3A_108 : i32
    %sub3A_110 = arith.constant 511 : i32
    %sub3A_111 = arith.subi %sub3A_110, %add3A_109 : i32
    %sub3A_112 = arith.constant 1 : i32
    %sub3A_113 = arith.subi %sub3A_111, %sub3A_112 : i32
    %multiple_of3A_114 = tpu.assume_multiple %sub3A_113, 8 : i32
    %dma_start3A_115 = arith.constant 1 : i32
    %dma_start3A_116 = arith.constant 0 : i32
    %dma_start3A_117 = arith.constant 0 : i32
    %dma_start3A_118 = tpu.memref_slice %arg3[%add3A_109, %dma_start3A_116, %dma_start3A_117] : memref<512x512x256xf32, #tpu.memory_space<hbm>> -> memref<1x512x256xf32, #tpu.memory_space<hbm>>
    %dma_start3A_119 = tpu.memref_squeeze %dma_start3A_118 : memref<1x512x256xf32, #tpu.memory_space<hbm>> -> memref<512x256xf32, #tpu.memory_space<hbm>>
    %dma_start3A_120 = arith.constant 0 : i32
    %dma_start3A_121 = tpu.memref_slice %arg4[%dma_start3A_115, %multiple_of3A_114, %dma_start3A_120] : memref<8x1016x256xf32, #tpu.memory_space<vmem_shared>> -> memref<1x512x256xf32, #tpu.memory_space<vmem_shared>>
    %dma_start3A_122 = tpu.memref_squeeze %dma_start3A_121 : memref<1x512x256xf32, #tpu.memory_space<vmem_shared>> -> memref<512x256xf32, #tpu.memory_space<vmem_shared>>
    tpu.enqueue_dma source(%dma_start3A_122 : memref<512x256xf32, #tpu.memory_space<vmem_shared>>) target(%dma_start3A_119 : memref<512x256xf32, #tpu.memory_space<hbm>>) target_semaphore(%arg5 : memref<!tpu.dma_semaphore, #tpu.memory_space<semaphore_mem>>)
    %mul3A_123 = arith.constant 16 : i32
    %mul3A_124 = arith.muli %add3A, %mul3A_123 : i32
    %add3A_125 = arith.constant 7 : i32
    %add3A_126 = arith.addi %mul3A_124, %add3A_125 : i32
    %sub3A_127 = arith.constant 511 : i32
    %sub3A_128 = arith.subi %sub3A_127, %add3A_126 : i32
    %sub3A_129 = arith.constant 0 : i32
    %sub3A_130 = arith.subi %sub3A_128, %sub3A_129 : i32
    %multiple_of3A_131 = tpu.assume_multiple %sub3A_130, 8 : i32
    %dma_start3A_132 = arith.constant 0 : i32
    %dma_start3A_133 = arith.constant 0 : i32
    %dma_start3A_134 = arith.constant 0 : i32
    %dma_start3A_135 = tpu.memref_slice %arg3[%add3A_126, %dma_start3A_133, %dma_start3A_134] : memref<512x512x256xf32, #tpu.memory_space<hbm>> -> memref<1x512x256xf32, #tpu.memory_space<hbm>>
    %dma_start3A_136 = tpu.memref_squeeze %dma_start3A_135 : memref<1x512x256xf32, #tpu.memory_space<hbm>> -> memref<512x256xf32, #tpu.memory_space<hbm>>
    %dma_start3A_137 = arith.constant 0 : i32
    %dma_start3A_138 = tpu.memref_slice %arg4[%dma_start3A_132, %multiple_of3A_131, %dma_start3A_137] : memref<8x1016x256xf32, #tpu.memory_space<vmem_shared>> -> memref<1x512x256xf32, #tpu.memory_space<vmem_shared>>
    %dma_start3A_139 = tpu.memref_squeeze %dma_start3A_138 : memref<1x512x256xf32, #tpu.memory_space<vmem_shared>> -> memref<512x256xf32, #tpu.memory_space<vmem_shared>>
    tpu.enqueue_dma source(%dma_start3A_139 : memref<512x256xf32, #tpu.memory_space<vmem_shared>>) target(%dma_start3A_136 : memref<512x256xf32, #tpu.memory_space<hbm>>) target_semaphore(%arg5 : memref<!tpu.dma_semaphore, #tpu.memory_space<semaphore_mem>>)
    %mul3A_140 = arith.constant 16 : i32
    %mul3A_141 = arith.muli %add3A, %mul3A_140 : i32
    %add3A_142 = arith.constant 8 : i32
    %add3A_143 = arith.addi %mul3A_141, %add3A_142 : i32
    %sub3A_144 = arith.constant 511 : i32
    %sub3A_145 = arith.subi %sub3A_144, %add3A_143 : i32
    %sub3A_146 = arith.constant 7 : i32
    %sub3A_147 = arith.subi %sub3A_145, %sub3A_146 : i32
    %multiple_of3A_148 = tpu.assume_multiple %sub3A_147, 8 : i32
    %dma_start3A_149 = arith.constant 7 : i32
    %dma_start3A_150 = arith.constant 0 : i32
    %dma_start3A_151 = arith.constant 0 : i32
    %dma_start3A_152 = tpu.memref_slice %arg3[%add3A_143, %dma_start3A_150, %dma_start3A_151] : memref<512x512x256xf32, #tpu.memory_space<hbm>> -> memref<1x512x256xf32, #tpu.memory_space<hbm>>
    %dma_start3A_153 = tpu.memref_squeeze %dma_start3A_152 : memref<1x512x256xf32, #tpu.memory_space<hbm>> -> memref<512x256xf32, #tpu.memory_space<hbm>>
    %dma_start3A_154 = arith.constant 0 : i32
    %dma_start3A_155 = tpu.memref_slice %arg4[%dma_start3A_149, %multiple_of3A_148, %dma_start3A_154] : memref<8x1016x256xf32, #tpu.memory_space<vmem_shared>> -> memref<1x512x256xf32, #tpu.memory_space<vmem_shared>>
    %dma_start3A_156 = tpu.memref_squeeze %dma_start3A_155 : memref<1x512x256xf32, #tpu.memory_space<vmem_shared>> -> memref<512x256xf32, #tpu.memory_space<vmem_shared>>
    tpu.enqueue_dma source(%dma_start3A_156 : memref<512x256xf32, #tpu.memory_space<vmem_shared>>) target(%dma_start3A_153 : memref<512x256xf32, #tpu.memory_space<hbm>>) target_semaphore(%arg5 : memref<!tpu.dma_semaphore, #tpu.memory_space<semaphore_mem>>)
    %mul3A_157 = arith.constant 16 : i32
    %mul3A_158 = arith.muli %add3A, %mul3A_157 : i32
    %add3A_159 = arith.constant 9 : i32
    %add3A_160 = arith.addi %mul3A_158, %add3A_159 : i32
    %sub3A_161 = arith.constant 511 : i32
    %sub3A_162 = arith.subi %sub3A_161, %add3A_160 : i32
    %sub3A_163 = arith.constant 6 : i32
    %sub3A_164 = arith.subi %sub3A_162, %sub3A_163 : i32
    %multiple_of3A_165 = tpu.assume_multiple %sub3A_164, 8 : i32
    %dma_start3A_166 = arith.constant 6 : i32
    %dma_start3A_167 = arith.constant 0 : i32
    %dma_start3A_168 = arith.constant 0 : i32
    %dma_start3A_169 = tpu.memref_slice %arg3[%add3A_160, %dma_start3A_167, %dma_start3A_168] : memref<512x512x256xf32, #tpu.memory_space<hbm>> -> memref<1x512x256xf32, #tpu.memory_space<hbm>>
    %dma_start3A_170 = tpu.memref_squeeze %dma_start3A_169 : memref<1x512x256xf32, #tpu.memory_space<hbm>> -> memref<512x256xf32, #tpu.memory_space<hbm>>
    %dma_start3A_171 = arith.constant 0 : i32
    %dma_start3A_172 = tpu.memref_slice %arg4[%dma_start3A_166, %multiple_of3A_165, %dma_start3A_171] : memref<8x1016x256xf32, #tpu.memory_space<vmem_shared>> -> memref<1x512x256xf32, #tpu.memory_space<vmem_shared>>
    %dma_start3A_173 = tpu.memref_squeeze %dma_start3A_172 : memref<1x512x256xf32, #tpu.memory_space<vmem_shared>> -> memref<512x256xf32, #tpu.memory_space<vmem_shared>>
    tpu.enqueue_dma source(%dma_start3A_173 : memref<512x256xf32, #tpu.memory_space<vmem_shared>>) target(%dma_start3A_170 : memref<512x256xf32, #tpu.memory_space<hbm>>) target_semaphore(%arg5 : memref<!tpu.dma_semaphore, #tpu.memory_space<semaphore_mem>>)
    %mul3A_174 = arith.constant 16 : i32
    %mul3A_175 = arith.muli %add3A, %mul3A_174 : i32
    %add3A_176 = arith.constant 10 : i32
    %add3A_177 = arith.addi %mul3A_175, %add3A_176 : i32
    %sub3A_178 = arith.constant 511 : i32
    %sub3A_179 = arith.subi %sub3A_178, %add3A_177 : i32
    %sub3A_180 = arith.constant 5 : i32
    %sub3A_181 = arith.subi %sub3A_179, %sub3A_180 : i32
    %multiple_of3A_182 = tpu.assume_multiple %sub3A_181, 8 : i32
    %dma_start3A_183 = arith.constant 5 : i32
    %dma_start3A_184 = arith.constant 0 : i32
    %dma_start3A_185 = arith.constant 0 : i32
    %dma_start3A_186 = tpu.memref_slice %arg3[%add3A_177, %dma_start3A_184, %dma_start3A_185] : memref<512x512x256xf32, #tpu.memory_space<hbm>> -> memref<1x512x256xf32, #tpu.memory_space<hbm>>
    %dma_start3A_187 = tpu.memref_squeeze %dma_start3A_186 : memref<1x512x256xf32, #tpu.memory_space<hbm>> -> memref<512x256xf32, #tpu.memory_space<hbm>>
    %dma_start3A_188 = arith.constant 0 : i32
    %dma_start3A_189 = tpu.memref_slice %arg4[%dma_start3A_183, %multiple_of3A_182, %dma_start3A_188] : memref<8x1016x256xf32, #tpu.memory_space<vmem_shared>> -> memref<1x512x256xf32, #tpu.memory_space<vmem_shared>>
    %dma_start3A_190 = tpu.memref_squeeze %dma_start3A_189 : memref<1x512x256xf32, #tpu.memory_space<vmem_shared>> -> memref<512x256xf32, #tpu.memory_space<vmem_shared>>
    tpu.enqueue_dma source(%dma_start3A_190 : memref<512x256xf32, #tpu.memory_space<vmem_shared>>) target(%dma_start3A_187 : memref<512x256xf32, #tpu.memory_space<hbm>>) target_semaphore(%arg5 : memref<!tpu.dma_semaphore, #tpu.memory_space<semaphore_mem>>)
    %mul3A_191 = arith.constant 16 : i32
    %mul3A_192 = arith.muli %add3A, %mul3A_191 : i32
    %add3A_193 = arith.constant 11 : i32
    %add3A_194 = arith.addi %mul3A_192, %add3A_193 : i32
    %sub3A_195 = arith.constant 511 : i32
    %sub3A_196 = arith.subi %sub3A_195, %add3A_194 : i32
    %sub3A_197 = arith.constant 4 : i32
    %sub3A_198 = arith.subi %sub3A_196, %sub3A_197 : i32
    %multiple_of3A_199 = tpu.assume_multiple %sub3A_198, 8 : i32
    %dma_start3A_200 = arith.constant 4 : i32
    %dma_start3A_201 = arith.constant 0 : i32
    %dma_start3A_202 = arith.constant 0 : i32
    %dma_start3A_203 = tpu.memref_slice %arg3[%add3A_194, %dma_start3A_201, %dma_start3A_202] : memref<512x512x256xf32, #tpu.memory_space<hbm>> -> memref<1x512x256xf32, #tpu.memory_space<hbm>>
    %dma_start3A_204 = tpu.memref_squeeze %dma_start3A_203 : memref<1x512x256xf32, #tpu.memory_space<hbm>> -> memref<512x256xf32, #tpu.memory_space<hbm>>
    %dma_start3A_205 = arith.constant 0 : i32
    %dma_start3A_206 = tpu.memref_slice %arg4[%dma_start3A_200, %multiple_of3A_199, %dma_start3A_205] : memref<8x1016x256xf32, #tpu.memory_space<vmem_shared>> -> memref<1x512x256xf32, #tpu.memory_space<vmem_shared>>
    %dma_start3A_207 = tpu.memref_squeeze %dma_start3A_206 : memref<1x512x256xf32, #tpu.memory_space<vmem_shared>> -> memref<512x256xf32, #tpu.memory_space<vmem_shared>>
    tpu.enqueue_dma source(%dma_start3A_207 : memref<512x256xf32, #tpu.memory_space<vmem_shared>>) target(%dma_start3A_204 : memref<512x256xf32, #tpu.memory_space<hbm>>) target_semaphore(%arg5 : memref<!tpu.dma_semaphore, #tpu.memory_space<semaphore_mem>>)
    %mul3A_208 = arith.constant 16 : i32
    %mul3A_209 = arith.muli %add3A, %mul3A_208 : i32
    %add3A_210 = arith.constant 12 : i32
    %add3A_211 = arith.addi %mul3A_209, %add3A_210 : i32
    %sub3A_212 = arith.constant 511 : i32
    %sub3A_213 = arith.subi %sub3A_212, %add3A_211 : i32
    %sub3A_214 = arith.constant 3 : i32
    %sub3A_215 = arith.subi %sub3A_213, %sub3A_214 : i32
    %multiple_of3A_216 = tpu.assume_multiple %sub3A_215, 8 : i32
    %dma_start3A_217 = arith.constant 3 : i32
    %dma_start3A_218 = arith.constant 0 : i32
    %dma_start3A_219 = arith.constant 0 : i32
    %dma_start3A_220 = tpu.memref_slice %arg3[%add3A_211, %dma_start3A_218, %dma_start3A_219] : memref<512x512x256xf32, #tpu.memory_space<hbm>> -> memref<1x512x256xf32, #tpu.memory_space<hbm>>
    %dma_start3A_221 = tpu.memref_squeeze %dma_start3A_220 : memref<1x512x256xf32, #tpu.memory_space<hbm>> -> memref<512x256xf32, #tpu.memory_space<hbm>>
    %dma_start3A_222 = arith.constant 0 : i32
    %dma_start3A_223 = tpu.memref_slice %arg4[%dma_start3A_217, %multiple_of3A_216, %dma_start3A_222] : memref<8x1016x256xf32, #tpu.memory_space<vmem_shared>> -> memref<1x512x256xf32, #tpu.memory_space<vmem_shared>>
    %dma_start3A_224 = tpu.memref_squeeze %dma_start3A_223 : memref<1x512x256xf32, #tpu.memory_space<vmem_shared>> -> memref<512x256xf32, #tpu.memory_space<vmem_shared>>
    tpu.enqueue_dma source(%dma_start3A_224 : memref<512x256xf32, #tpu.memory_space<vmem_shared>>) target(%dma_start3A_221 : memref<512x256xf32, #tpu.memory_space<hbm>>) target_semaphore(%arg5 : memref<!tpu.dma_semaphore, #tpu.memory_space<semaphore_mem>>)
    %mul3A_225 = arith.constant 16 : i32
    %mul3A_226 = arith.muli %add3A, %mul3A_225 : i32
    %add3A_227 = arith.constant 13 : i32
    %add3A_228 = arith.addi %mul3A_226, %add3A_227 : i32
    %sub3A_229 = arith.constant 511 : i32
    %sub3A_230 = arith.subi %sub3A_229, %add3A_228 : i32
    %sub3A_231 = arith.constant 2 : i32
    %sub3A_232 = arith.subi %sub3A_230, %sub3A_231 : i32
    %multiple_of3A_233 = tpu.assume_multiple %sub3A_232, 8 : i32
    %dma_start3A_234 = arith.constant 2 : i32
    %dma_start3A_235 = arith.constant 0 : i32
    %dma_start3A_236 = arith.constant 0 : i32
    %dma_start3A_237 = tpu.memref_slice %arg3[%add3A_228, %dma_start3A_235, %dma_start3A_236] : memref<512x512x256xf32, #tpu.memory_space<hbm>> -> memref<1x512x256xf32, #tpu.memory_space<hbm>>
    %dma_start3A_238 = tpu.memref_squeeze %dma_start3A_237 : memref<1x512x256xf32, #tpu.memory_space<hbm>> -> memref<512x256xf32, #tpu.memory_space<hbm>>
    %dma_start3A_239 = arith.constant 0 : i32
    %dma_start3A_240 = tpu.memref_slice %arg4[%dma_start3A_234, %multiple_of3A_233, %dma_start3A_239] : memref<8x1016x256xf32, #tpu.memory_space<vmem_shared>> -> memref<1x512x256xf32, #tpu.memory_space<vmem_shared>>
    %dma_start3A_241 = tpu.memref_squeeze %dma_start3A_240 : memref<1x512x256xf32, #tpu.memory_space<vmem_shared>> -> memref<512x256xf32, #tpu.memory_space<vmem_shared>>
    tpu.enqueue_dma source(%dma_start3A_241 : memref<512x256xf32, #tpu.memory_space<vmem_shared>>) target(%dma_start3A_238 : memref<512x256xf32, #tpu.memory_space<hbm>>) target_semaphore(%arg5 : memref<!tpu.dma_semaphore, #tpu.memory_space<semaphore_mem>>)
    %mul3A_242 = arith.constant 16 : i32
    %mul3A_243 = arith.muli %add3A, %mul3A_242 : i32
    %add3A_244 = arith.constant 14 : i32
    %add3A_245 = arith.addi %mul3A_243, %add3A_244 : i32
    %sub3A_246 = arith.constant 511 : i32
    %sub3A_247 = arith.subi %sub3A_246, %add3A_245 : i32
    %sub3A_248 = arith.constant 1 : i32
    %sub3A_249 = arith.subi %sub3A_247, %sub3A_248 : i32
    %multiple_of3A_250 = tpu.assume_multiple %sub3A_249, 8 : i32
    %dma_start3A_251 = arith.constant 1 : i32
    %dma_start3A_252 = arith.constant 0 : i32
    %dma_start3A_253 = arith.constant 0 : i32
    %dma_start3A_254 = tpu.memref_slice %arg3[%add3A_245, %dma_start3A_252, %dma_start3A_253] : memref<512x512x256xf32, #tpu.memory_space<hbm>> -> memref<1x512x256xf32, #tpu.memory_space<hbm>>
    %dma_start3A_255 = tpu.memref_squeeze %dma_start3A_254 : memref<1x512x256xf32, #tpu.memory_space<hbm>> -> memref<512x256xf32, #tpu.memory_space<hbm>>
    %dma_start3A_256 = arith.constant 0 : i32
    %dma_start3A_257 = tpu.memref_slice %arg4[%dma_start3A_251, %multiple_of3A_250, %dma_start3A_256] : memref<8x1016x256xf32, #tpu.memory_space<vmem_shared>> -> memref<1x512x256xf32, #tpu.memory_space<vmem_shared>>
    %dma_start3A_258 = tpu.memref_squeeze %dma_start3A_257 : memref<1x512x256xf32, #tpu.memory_space<vmem_shared>> -> memref<512x256xf32, #tpu.memory_space<vmem_shared>>
    tpu.enqueue_dma source(%dma_start3A_258 : memref<512x256xf32, #tpu.memory_space<vmem_shared>>) target(%dma_start3A_255 : memref<512x256xf32, #tpu.memory_space<hbm>>) target_semaphore(%arg5 : memref<!tpu.dma_semaphore, #tpu.memory_space<semaphore_mem>>)
    %mul3A_259 = arith.constant 16 : i32
    %mul3A_260 = arith.muli %add3A, %mul3A_259 : i32
    %add3A_261 = arith.constant 15 : i32
    %add3A_262 = arith.addi %mul3A_260, %add3A_261 : i32
    %sub3A_263 = arith.constant 511 : i32
    %sub3A_264 = arith.subi %sub3A_263, %add3A_262 : i32
    %sub3A_265 = arith.constant 0 : i32
    %sub3A_266 = arith.subi %sub3A_264, %sub3A_265 : i32
    %multiple_of3A_267 = tpu.assume_multiple %sub3A_266, 8 : i32
    %dma_start3A_268 = arith.constant 0 : i32
    %dma_start3A_269 = arith.constant 0 : i32
    %dma_start3A_270 = arith.constant 0 : i32
    %dma_start3A_271 = tpu.memref_slice %arg3[%add3A_262, %dma_start3A_269, %dma_start3A_270] : memref<512x512x256xf32, #tpu.memory_space<hbm>> -> memref<1x512x256xf32, #tpu.memory_space<hbm>>
    %dma_start3A_272 = tpu.memref_squeeze %dma_start3A_271 : memref<1x512x256xf32, #tpu.memory_space<hbm>> -> memref<512x256xf32, #tpu.memory_space<hbm>>
    %dma_start3A_273 = arith.constant 0 : i32
    %dma_start3A_274 = tpu.memref_slice %arg4[%dma_start3A_268, %multiple_of3A_267, %dma_start3A_273] : memref<8x1016x256xf32, #tpu.memory_space<vmem_shared>> -> memref<1x512x256xf32, #tpu.memory_space<vmem_shared>>
    %dma_start3A_275 = tpu.memref_squeeze %dma_start3A_274 : memref<1x512x256xf32, #tpu.memory_space<vmem_shared>> -> memref<512x256xf32, #tpu.memory_space<vmem_shared>>
    tpu.enqueue_dma source(%dma_start3A_275 : memref<512x256xf32, #tpu.memory_space<vmem_shared>>) target(%dma_start3A_272 : memref<512x256xf32, #tpu.memory_space<hbm>>) target_semaphore(%arg5 : memref<!tpu.dma_semaphore, #tpu.memory_space<semaphore_mem>>)
    %dma_wait3A = arith.constant 7 : i32
    %dma_wait3A_276 = arith.constant 0 : i32
    %dma_wait3A_277 = arith.constant 0 : i32
    %dma_wait3A_278 = tpu.memref_slice %arg3[%add3A_10, %dma_wait3A_276, %dma_wait3A_277] : memref<512x512x256xf32, #tpu.memory_space<hbm>> -> memref<1x512x256xf32, #tpu.memory_space<hbm>>
    %dma_wait3A_279 = tpu.memref_squeeze %dma_wait3A_278 : memref<1x512x256xf32, #tpu.memory_space<hbm>> -> memref<512x256xf32, #tpu.memory_space<hbm>>
    %dma_wait3A_280 = arith.constant 0 : i32
    %dma_wait3A_281 = tpu.memref_slice %arg4[%dma_wait3A, %multiple_of3A, %dma_wait3A_280] : memref<8x1016x256xf32, #tpu.memory_space<vmem_shared>> -> memref<1x512x256xf32, #tpu.memory_space<vmem_shared>>
    %dma_wait3A_282 = tpu.memref_squeeze %dma_wait3A_281 : memref<1x512x256xf32, #tpu.memory_space<vmem_shared>> -> memref<512x256xf32, #tpu.memory_space<vmem_shared>>
    tpu.wait_dma2 semaphore(%arg5 : memref<!tpu.dma_semaphore, #tpu.memory_space<semaphore_mem>>) src(%dma_wait3A_282 : memref<512x256xf32, #tpu.memory_space<vmem_shared>>) dst(%dma_wait3A_279 : memref<512x256xf32, #tpu.memory_space<hbm>>)
    %dma_wait3A_283 = arith.constant 6 : i32
    %dma_wait3A_284 = arith.constant 0 : i32
    %dma_wait3A_285 = arith.constant 0 : i32
    %dma_wait3A_286 = tpu.memref_slice %arg3[%add3A_24, %dma_wait3A_284, %dma_wait3A_285] : memref<512x512x256xf32, #tpu.memory_space<hbm>> -> memref<1x512x256xf32, #tpu.memory_space<hbm>>
    %dma_wait3A_287 = tpu.memref_squeeze %dma_wait3A_286 : memref<1x512x256xf32, #tpu.memory_space<hbm>> -> memref<512x256xf32, #tpu.memory_space<hbm>>
    %dma_wait3A_288 = arith.constant 0 : i32
    %dma_wait3A_289 = tpu.memref_slice %arg4[%dma_wait3A_283, %multiple_of3A_29, %dma_wait3A_288] : memref<8x1016x256xf32, #tpu.memory_space<vmem_shared>> -> memref<1x512x256xf32, #tpu.memory_space<vmem_shared>>
    %dma_wait3A_290 = tpu.memref_squeeze %dma_wait3A_289 : memref<1x512x256xf32, #tpu.memory_space<vmem_shared>> -> memref<512x256xf32, #tpu.memory_space<vmem_shared>>
    tpu.wait_dma2 semaphore(%arg5 : memref<!tpu.dma_semaphore, #tpu.memory_space<semaphore_mem>>) src(%dma_wait3A_290 : memref<512x256xf32, #tpu.memory_space<vmem_shared>>) dst(%dma_wait3A_287 : memref<512x256xf32, #tpu.memory_space<hbm>>)
    %dma_wait3A_291 = arith.constant 5 : i32
    %dma_wait3A_292 = arith.constant 0 : i32
    %dma_wait3A_293 = arith.constant 0 : i32
    %dma_wait3A_294 = tpu.memref_slice %arg3[%add3A_41, %dma_wait3A_292, %dma_wait3A_293] : memref<512x512x256xf32, #tpu.memory_space<hbm>> -> memref<1x512x256xf32, #tpu.memory_space<hbm>>
    %dma_wait3A_295 = tpu.memref_squeeze %dma_wait3A_294 : memref<1x512x256xf32, #tpu.memory_space<hbm>> -> memref<512x256xf32, #tpu.memory_space<hbm>>
    %dma_wait3A_296 = arith.constant 0 : i32
    %dma_wait3A_297 = tpu.memref_slice %arg4[%dma_wait3A_291, %multiple_of3A_46, %dma_wait3A_296] : memref<8x1016x256xf32, #tpu.memory_space<vmem_shared>> -> memref<1x512x256xf32, #tpu.memory_space<vmem_shared>>
    %dma_wait3A_298 = tpu.memref_squeeze %dma_wait3A_297 : memref<1x512x256xf32, #tpu.memory_space<vmem_shared>> -> memref<512x256xf32, #tpu.memory_space<vmem_shared>>
    tpu.wait_dma2 semaphore(%arg5 : memref<!tpu.dma_semaphore, #tpu.memory_space<semaphore_mem>>) src(%dma_wait3A_298 : memref<512x256xf32, #tpu.memory_space<vmem_shared>>) dst(%dma_wait3A_295 : memref<512x256xf32, #tpu.memory_space<hbm>>)
    %dma_wait3A_299 = arith.constant 4 : i32
    %dma_wait3A_300 = arith.constant 0 : i32
    %dma_wait3A_301 = arith.constant 0 : i32
    %dma_wait3A_302 = tpu.memref_slice %arg3[%add3A_58, %dma_wait3A_300, %dma_wait3A_301] : memref<512x512x256xf32, #tpu.memory_space<hbm>> -> memref<1x512x256xf32, #tpu.memory_space<hbm>>
    %dma_wait3A_303 = tpu.memref_squeeze %dma_wait3A_302 : memref<1x512x256xf32, #tpu.memory_space<hbm>> -> memref<512x256xf32, #tpu.memory_space<hbm>>
    %dma_wait3A_304 = arith.constant 0 : i32
    %dma_wait3A_305 = tpu.memref_slice %arg4[%dma_wait3A_299, %multiple_of3A_63, %dma_wait3A_304] : memref<8x1016x256xf32, #tpu.memory_space<vmem_shared>> -> memref<1x512x256xf32, #tpu.memory_space<vmem_shared>>
    %dma_wait3A_306 = tpu.memref_squeeze %dma_wait3A_305 : memref<1x512x256xf32, #tpu.memory_space<vmem_shared>> -> memref<512x256xf32, #tpu.memory_space<vmem_shared>>
    tpu.wait_dma2 semaphore(%arg5 : memref<!tpu.dma_semaphore, #tpu.memory_space<semaphore_mem>>) src(%dma_wait3A_306 : memref<512x256xf32, #tpu.memory_space<vmem_shared>>) dst(%dma_wait3A_303 : memref<512x256xf32, #tpu.memory_space<hbm>>)
    %dma_wait3A_307 = arith.constant 3 : i32
    %dma_wait3A_308 = arith.constant 0 : i32
    %dma_wait3A_309 = arith.constant 0 : i32
    %dma_wait3A_310 = tpu.memref_slice %arg3[%add3A_75, %dma_wait3A_308, %dma_wait3A_309] : memref<512x512x256xf32, #tpu.memory_space<hbm>> -> memref<1x512x256xf32, #tpu.memory_space<hbm>>
    %dma_wait3A_311 = tpu.memref_squeeze %dma_wait3A_310 : memref<1x512x256xf32, #tpu.memory_space<hbm>> -> memref<512x256xf32, #tpu.memory_space<hbm>>
    %dma_wait3A_312 = arith.constant 0 : i32
    %dma_wait3A_313 = tpu.memref_slice %arg4[%dma_wait3A_307, %multiple_of3A_80, %dma_wait3A_312] : memref<8x1016x256xf32, #tpu.memory_space<vmem_shared>> -> memref<1x512x256xf32, #tpu.memory_space<vmem_shared>>
    %dma_wait3A_314 = tpu.memref_squeeze %dma_wait3A_313 : memref<1x512x256xf32, #tpu.memory_space<vmem_shared>> -> memref<512x256xf32, #tpu.memory_space<vmem_shared>>
    tpu.wait_dma2 semaphore(%arg5 : memref<!tpu.dma_semaphore, #tpu.memory_space<semaphore_mem>>) src(%dma_wait3A_314 : memref<512x256xf32, #tpu.memory_space<vmem_shared>>) dst(%dma_wait3A_311 : memref<512x256xf32, #tpu.memory_space<hbm>>)
    %dma_wait3A_315 = arith.constant 2 : i32
    %dma_wait3A_316 = arith.constant 0 : i32
    %dma_wait3A_317 = arith.constant 0 : i32
    %dma_wait3A_318 = tpu.memref_slice %arg3[%add3A_92, %dma_wait3A_316, %dma_wait3A_317] : memref<512x512x256xf32, #tpu.memory_space<hbm>> -> memref<1x512x256xf32, #tpu.memory_space<hbm>>
    %dma_wait3A_319 = tpu.memref_squeeze %dma_wait3A_318 : memref<1x512x256xf32, #tpu.memory_space<hbm>> -> memref<512x256xf32, #tpu.memory_space<hbm>>
    %dma_wait3A_320 = arith.constant 0 : i32
    %dma_wait3A_321 = tpu.memref_slice %arg4[%dma_wait3A_315, %multiple_of3A_97, %dma_wait3A_320] : memref<8x1016x256xf32, #tpu.memory_space<vmem_shared>> -> memref<1x512x256xf32, #tpu.memory_space<vmem_shared>>
    %dma_wait3A_322 = tpu.memref_squeeze %dma_wait3A_321 : memref<1x512x256xf32, #tpu.memory_space<vmem_shared>> -> memref<512x256xf32, #tpu.memory_space<vmem_shared>>
    tpu.wait_dma2 semaphore(%arg5 : memref<!tpu.dma_semaphore, #tpu.memory_space<semaphore_mem>>) src(%dma_wait3A_322 : memref<512x256xf32, #tpu.memory_space<vmem_shared>>) dst(%dma_wait3A_319 : memref<512x256xf32, #tpu.memory_space<hbm>>)
    %dma_wait3A_323 = arith.constant 1 : i32
    %dma_wait3A_324 = arith.constant 0 : i32
    %dma_wait3A_325 = arith.constant 0 : i32
    %dma_wait3A_326 = tpu.memref_slice %arg3[%add3A_109, %dma_wait3A_324, %dma_wait3A_325] : memref<512x512x256xf32, #tpu.memory_space<hbm>> -> memref<1x512x256xf32, #tpu.memory_space<hbm>>
    %dma_wait3A_327 = tpu.memref_squeeze %dma_wait3A_326 : memref<1x512x256xf32, #tpu.memory_space<hbm>> -> memref<512x256xf32, #tpu.memory_space<hbm>>
    %dma_wait3A_328 = arith.constant 0 : i32
    %dma_wait3A_329 = tpu.memref_slice %arg4[%dma_wait3A_323, %multiple_of3A_114, %dma_wait3A_328] : memref<8x1016x256xf32, #tpu.memory_space<vmem_shared>> -> memref<1x512x256xf32, #tpu.memory_space<vmem_shared>>
    %dma_wait3A_330 = tpu.memref_squeeze %dma_wait3A_329 : memref<1x512x256xf32, #tpu.memory_space<vmem_shared>> -> memref<512x256xf32, #tpu.memory_space<vmem_shared>>
    tpu.wait_dma2 semaphore(%arg5 : memref<!tpu.dma_semaphore, #tpu.memory_space<semaphore_mem>>) src(%dma_wait3A_330 : memref<512x256xf32, #tpu.memory_space<vmem_shared>>) dst(%dma_wait3A_327 : memref<512x256xf32, #tpu.memory_space<hbm>>)
    %dma_wait3A_331 = arith.constant 0 : i32
    %dma_wait3A_332 = arith.constant 0 : i32
    %dma_wait3A_333 = arith.constant 0 : i32
    %dma_wait3A_334 = tpu.memref_slice %arg3[%add3A_126, %dma_wait3A_332, %dma_wait3A_333] : memref<512x512x256xf32, #tpu.memory_space<hbm>> -> memref<1x512x256xf32, #tpu.memory_space<hbm>>
    %dma_wait3A_335 = tpu.memref_squeeze %dma_wait3A_334 : memref<1x512x256xf32, #tpu.memory_space<hbm>> -> memref<512x256xf32, #tpu.memory_space<hbm>>
    %dma_wait3A_336 = arith.constant 0 : i32
    %dma_wait3A_337 = tpu.memref_slice %arg4[%dma_wait3A_331, %multiple_of3A_131, %dma_wait3A_336] : memref<8x1016x256xf32, #tpu.memory_space<vmem_shared>> -> memref<1x512x256xf32, #tpu.memory_space<vmem_shared>>
    %dma_wait3A_338 = tpu.memref_squeeze %dma_wait3A_337 : memref<1x512x256xf32, #tpu.memory_space<vmem_shared>> -> memref<512x256xf32, #tpu.memory_space<vmem_shared>>
    tpu.wait_dma2 semaphore(%arg5 : memref<!tpu.dma_semaphore, #tpu.memory_space<semaphore_mem>>) src(%dma_wait3A_338 : memref<512x256xf32, #tpu.memory_space<vmem_shared>>) dst(%dma_wait3A_335 : memref<512x256xf32, #tpu.memory_space<hbm>>)
    %dma_wait3A_339 = arith.constant 7 : i32
    %dma_wait3A_340 = arith.constant 0 : i32
    %dma_wait3A_341 = arith.constant 0 : i32
    %dma_wait3A_342 = tpu.memref_slice %arg3[%add3A_143, %dma_wait3A_340, %dma_wait3A_341] : memref<512x512x256xf32, #tpu.memory_space<hbm>> -> memref<1x512x256xf32, #tpu.memory_space<hbm>>
    %dma_wait3A_343 = tpu.memref_squeeze %dma_wait3A_342 : memref<1x512x256xf32, #tpu.memory_space<hbm>> -> memref<512x256xf32, #tpu.memory_space<hbm>>
    %dma_wait3A_344 = arith.constant 0 : i32
    %dma_wait3A_345 = tpu.memref_slice %arg4[%dma_wait3A_339, %multiple_of3A_148, %dma_wait3A_344] : memref<8x1016x256xf32, #tpu.memory_space<vmem_shared>> -> memref<1x512x256xf32, #tpu.memory_space<vmem_shared>>
    %dma_wait3A_346 = tpu.memref_squeeze %dma_wait3A_345 : memref<1x512x256xf32, #tpu.memory_space<vmem_shared>> -> memref<512x256xf32, #tpu.memory_space<vmem_shared>>
    tpu.wait_dma2 semaphore(%arg5 : memref<!tpu.dma_semaphore, #tpu.memory_space<semaphore_mem>>) src(%dma_wait3A_346 : memref<512x256xf32, #tpu.memory_space<vmem_shared>>) dst(%dma_wait3A_343 : memref<512x256xf32, #tpu.memory_space<hbm>>)
    %dma_wait3A_347 = arith.constant 6 : i32
    %dma_wait3A_348 = arith.constant 0 : i32
    %dma_wait3A_349 = arith.constant 0 : i32
    %dma_wait3A_350 = tpu.memref_slice %arg3[%add3A_160, %dma_wait3A_348, %dma_wait3A_349] : memref<512x512x256xf32, #tpu.memory_space<hbm>> -> memref<1x512x256xf32, #tpu.memory_space<hbm>>
    %dma_wait3A_351 = tpu.memref_squeeze %dma_wait3A_350 : memref<1x512x256xf32, #tpu.memory_space<hbm>> -> memref<512x256xf32, #tpu.memory_space<hbm>>
    %dma_wait3A_352 = arith.constant 0 : i32
    %dma_wait3A_353 = tpu.memref_slice %arg4[%dma_wait3A_347, %multiple_of3A_165, %dma_wait3A_352] : memref<8x1016x256xf32, #tpu.memory_space<vmem_shared>> -> memref<1x512x256xf32, #tpu.memory_space<vmem_shared>>
    %dma_wait3A_354 = tpu.memref_squeeze %dma_wait3A_353 : memref<1x512x256xf32, #tpu.memory_space<vmem_shared>> -> memref<512x256xf32, #tpu.memory_space<vmem_shared>>
    tpu.wait_dma2 semaphore(%arg5 : memref<!tpu.dma_semaphore, #tpu.memory_space<semaphore_mem>>) src(%dma_wait3A_354 : memref<512x256xf32, #tpu.memory_space<vmem_shared>>) dst(%dma_wait3A_351 : memref<512x256xf32, #tpu.memory_space<hbm>>)
    %dma_wait3A_355 = arith.constant 5 : i32
    %dma_wait3A_356 = arith.constant 0 : i32
    %dma_wait3A_357 = arith.constant 0 : i32
    %dma_wait3A_358 = tpu.memref_slice %arg3[%add3A_177, %dma_wait3A_356, %dma_wait3A_357] : memref<512x512x256xf32, #tpu.memory_space<hbm>> -> memref<1x512x256xf32, #tpu.memory_space<hbm>>
    %dma_wait3A_359 = tpu.memref_squeeze %dma_wait3A_358 : memref<1x512x256xf32, #tpu.memory_space<hbm>> -> memref<512x256xf32, #tpu.memory_space<hbm>>
    %dma_wait3A_360 = arith.constant 0 : i32
    %dma_wait3A_361 = tpu.memref_slice %arg4[%dma_wait3A_355, %multiple_of3A_182, %dma_wait3A_360] : memref<8x1016x256xf32, #tpu.memory_space<vmem_shared>> -> memref<1x512x256xf32, #tpu.memory_space<vmem_shared>>
    %dma_wait3A_362 = tpu.memref_squeeze %dma_wait3A_361 : memref<1x512x256xf32, #tpu.memory_space<vmem_shared>> -> memref<512x256xf32, #tpu.memory_space<vmem_shared>>
    tpu.wait_dma2 semaphore(%arg5 : memref<!tpu.dma_semaphore, #tpu.memory_space<semaphore_mem>>) src(%dma_wait3A_362 : memref<512x256xf32, #tpu.memory_space<vmem_shared>>) dst(%dma_wait3A_359 : memref<512x256xf32, #tpu.memory_space<hbm>>)
    %dma_wait3A_363 = arith.constant 4 : i32
    %dma_wait3A_364 = arith.constant 0 : i32
    %dma_wait3A_365 = arith.constant 0 : i32
    %dma_wait3A_366 = tpu.memref_slice %arg3[%add3A_194, %dma_wait3A_364, %dma_wait3A_365] : memref<512x512x256xf32, #tpu.memory_space<hbm>> -> memref<1x512x256xf32, #tpu.memory_space<hbm>>
    %dma_wait3A_367 = tpu.memref_squeeze %dma_wait3A_366 : memref<1x512x256xf32, #tpu.memory_space<hbm>> -> memref<512x256xf32, #tpu.memory_space<hbm>>
    %dma_wait3A_368 = arith.constant 0 : i32
    %dma_wait3A_369 = tpu.memref_slice %arg4[%dma_wait3A_363, %multiple_of3A_199, %dma_wait3A_368] : memref<8x1016x256xf32, #tpu.memory_space<vmem_shared>> -> memref<1x512x256xf32, #tpu.memory_space<vmem_shared>>
    %dma_wait3A_370 = tpu.memref_squeeze %dma_wait3A_369 : memref<1x512x256xf32, #tpu.memory_space<vmem_shared>> -> memref<512x256xf32, #tpu.memory_space<vmem_shared>>
    tpu.wait_dma2 semaphore(%arg5 : memref<!tpu.dma_semaphore, #tpu.memory_space<semaphore_mem>>) src(%dma_wait3A_370 : memref<512x256xf32, #tpu.memory_space<vmem_shared>>) dst(%dma_wait3A_367 : memref<512x256xf32, #tpu.memory_space<hbm>>)
    %dma_wait3A_371 = arith.constant 3 : i32
    %dma_wait3A_372 = arith.constant 0 : i32
    %dma_wait3A_373 = arith.constant 0 : i32
    %dma_wait3A_374 = tpu.memref_slice %arg3[%add3A_211, %dma_wait3A_372, %dma_wait3A_373] : memref<512x512x256xf32, #tpu.memory_space<hbm>> -> memref<1x512x256xf32, #tpu.memory_space<hbm>>
    %dma_wait3A_375 = tpu.memref_squeeze %dma_wait3A_374 : memref<1x512x256xf32, #tpu.memory_space<hbm>> -> memref<512x256xf32, #tpu.memory_space<hbm>>
    %dma_wait3A_376 = arith.constant 0 : i32
    %dma_wait3A_377 = tpu.memref_slice %arg4[%dma_wait3A_371, %multiple_of3A_216, %dma_wait3A_376] : memref<8x1016x256xf32, #tpu.memory_space<vmem_shared>> -> memref<1x512x256xf32, #tpu.memory_space<vmem_shared>>
    %dma_wait3A_378 = tpu.memref_squeeze %dma_wait3A_377 : memref<1x512x256xf32, #tpu.memory_space<vmem_shared>> -> memref<512x256xf32, #tpu.memory_space<vmem_shared>>
    tpu.wait_dma2 semaphore(%arg5 : memref<!tpu.dma_semaphore, #tpu.memory_space<semaphore_mem>>) src(%dma_wait3A_378 : memref<512x256xf32, #tpu.memory_space<vmem_shared>>) dst(%dma_wait3A_375 : memref<512x256xf32, #tpu.memory_space<hbm>>)
    %dma_wait3A_379 = arith.constant 2 : i32
    %dma_wait3A_380 = arith.constant 0 : i32
    %dma_wait3A_381 = arith.constant 0 : i32
    %dma_wait3A_382 = tpu.memref_slice %arg3[%add3A_228, %dma_wait3A_380, %dma_wait3A_381] : memref<512x512x256xf32, #tpu.memory_space<hbm>> -> memref<1x512x256xf32, #tpu.memory_space<hbm>>
    %dma_wait3A_383 = tpu.memref_squeeze %dma_wait3A_382 : memref<1x512x256xf32, #tpu.memory_space<hbm>> -> memref<512x256xf32, #tpu.memory_space<hbm>>
    %dma_wait3A_384 = arith.constant 0 : i32
    %dma_wait3A_385 = tpu.memref_slice %arg4[%dma_wait3A_379, %multiple_of3A_233, %dma_wait3A_384] : memref<8x1016x256xf32, #tpu.memory_space<vmem_shared>> -> memref<1x512x256xf32, #tpu.memory_space<vmem_shared>>
    %dma_wait3A_386 = tpu.memref_squeeze %dma_wait3A_385 : memref<1x512x256xf32, #tpu.memory_space<vmem_shared>> -> memref<512x256xf32, #tpu.memory_space<vmem_shared>>
    tpu.wait_dma2 semaphore(%arg5 : memref<!tpu.dma_semaphore, #tpu.memory_space<semaphore_mem>>) src(%dma_wait3A_386 : memref<512x256xf32, #tpu.memory_space<vmem_shared>>) dst(%dma_wait3A_383 : memref<512x256xf32, #tpu.memory_space<hbm>>)
    %dma_wait3A_387 = arith.constant 1 : i32
    %dma_wait3A_388 = arith.constant 0 : i32
    %dma_wait3A_389 = arith.constant 0 : i32
    %dma_wait3A_390 = tpu.memref_slice %arg3[%add3A_245, %dma_wait3A_388, %dma_wait3A_389] : memref<512x512x256xf32, #tpu.memory_space<hbm>> -> memref<1x512x256xf32, #tpu.memory_space<hbm>>
    %dma_wait3A_391 = tpu.memref_squeeze %dma_wait3A_390 : memref<1x512x256xf32, #tpu.memory_space<hbm>> -> memref<512x256xf32, #tpu.memory_space<hbm>>
    %dma_wait3A_392 = arith.constant 0 : i32
    %dma_wait3A_393 = tpu.memref_slice %arg4[%dma_wait3A_387, %multiple_of3A_250, %dma_wait3A_392] : memref<8x1016x256xf32, #tpu.memory_space<vmem_shared>> -> memref<1x512x256xf32, #tpu.memory_space<vmem_shared>>
    %dma_wait3A_394 = tpu.memref_squeeze %dma_wait3A_393 : memref<1x512x256xf32, #tpu.memory_space<vmem_shared>> -> memref<512x256xf32, #tpu.memory_space<vmem_shared>>
    tpu.wait_dma2 semaphore(%arg5 : memref<!tpu.dma_semaphore, #tpu.memory_space<semaphore_mem>>) src(%dma_wait3A_394 : memref<512x256xf32, #tpu.memory_space<vmem_shared>>) dst(%dma_wait3A_391 : memref<512x256xf32, #tpu.memory_space<hbm>>)
    %dma_wait3A_395 = arith.constant 0 : i32
    %dma_wait3A_396 = arith.constant 0 : i32
    %dma_wait3A_397 = arith.constant 0 : i32
    %dma_wait3A_398 = tpu.memref_slice %arg3[%add3A_262, %dma_wait3A_396, %dma_wait3A_397] : memref<512x512x256xf32, #tpu.memory_space<hbm>> -> memref<1x512x256xf32, #tpu.memory_space<hbm>>
    %dma_wait3A_399 = tpu.memref_squeeze %dma_wait3A_398 : memref<1x512x256xf32, #tpu.memory_space<hbm>> -> memref<512x256xf32, #tpu.memory_space<hbm>>
    %dma_wait3A_400 = arith.constant 0 : i32
    %dma_wait3A_401 = tpu.memref_slice %arg4[%dma_wait3A_395, %multiple_of3A_267, %dma_wait3A_400] : memref<8x1016x256xf32, #tpu.memory_space<vmem_shared>> -> memref<1x512x256xf32, #tpu.memory_space<vmem_shared>>
    %dma_wait3A_402 = tpu.memref_squeeze %dma_wait3A_401 : memref<1x512x256xf32, #tpu.memory_space<vmem_shared>> -> memref<512x256xf32, #tpu.memory_space<vmem_shared>>
    tpu.wait_dma2 semaphore(%arg5 : memref<!tpu.dma_semaphore, #tpu.memory_space<semaphore_mem>>) src(%dma_wait3A_402 : memref<512x256xf32, #tpu.memory_space<vmem_shared>>) dst(%dma_wait3A_399 : memref<512x256xf32, #tpu.memory_space<hbm>>)
    return
  }
}

module attributes {stable_mosaic.version = 14 : i64} {
  func.func @_build_shifted_kernel(%arg0: i32, %arg1: memref<1024x256xf32, #tpu.memory_space<vmem>>, %arg2: memref<8x1016x256xf32, #tpu.memory_space<vmem>>) attributes {dimension_semantics = [#tpu.dimension_semantics<arbitrary>], iteration_bounds = array<i64: 1>, scalar_prefetch = 0 : i64, scratch_operands = 0 : i64, tpu.core_type = #tpu.core_type<tc>, window_params = [{transform_indices = @transform_0, window_bounds = array<i64: 1024, 256>}, {pipeline_mode = #tpu.pipeline_mode<synchronous>, transform_indices = @transform_1, window_bounds = array<i64: 8, 1016, 256>}]} {
    %get3A = arith.constant 0 : index
    %get3A_0 = arith.constant 0 : index
    %get3A_1 = vector.load %arg1[%get3A, %get3A_0] : memref<1024x256xf32, #tpu.memory_space<vmem>>, vector<1024x256xf32>
    %iota3A = tpu.iota {dimensions = array<i32: 0>} : vector<1024x256xi32>
    %shift_right_arithmetic3A = arith.constant 0 : i32
    %shift_right_arithmetic3A_2 = vector.broadcast %shift_right_arithmetic3A : i32 to vector<1024x256xi32>
    %shift_right_arithmetic3A_3 = arith.shrsi %iota3A, %shift_right_arithmetic3A_2 : vector<1024x256xi32>
    %and3A = arith.constant 1 : i32
    %and3A_4 = vector.broadcast %and3A : i32 to vector<1024x256xi32>
    %and3A_5 = arith.andi %shift_right_arithmetic3A_3, %and3A_4 : vector<1024x256xi32>
    %eq3A = arith.constant 1 : i32
    %eq3A_6 = vector.broadcast %eq3A : i32 to vector<1024x256xi32>
    %eq3A_7 = arith.cmpi eq, %and3A_5, %eq3A_6 : vector<1024x256xi32>
    %roll3A = arith.constant 1 : i32
    %roll3A_8 = tpu.dynamic_rotate %get3A_1 by %roll3A dim 0 : vector<1024x256xf32>, i32 -> vector<1024x256xf32>
    %roll3A_9 = arith.constant 1023 : i32
    %roll3A_10 = tpu.dynamic_rotate %get3A_1 by %roll3A_9 dim 0 : vector<1024x256xf32>, i32 -> vector<1024x256xf32>
    %select_n3A = arith.select %eq3A_7, %roll3A_8, %roll3A_10 : vector<1024x256xi1>, vector<1024x256xf32>
    %shift_right_arithmetic3A_11 = arith.constant 1 : i32
    %shift_right_arithmetic3A_12 = vector.broadcast %shift_right_arithmetic3A_11 : i32 to vector<1024x256xi32>
    %shift_right_arithmetic3A_13 = arith.shrsi %iota3A, %shift_right_arithmetic3A_12 : vector<1024x256xi32>
    %and3A_14 = arith.constant 1 : i32
    %and3A_15 = vector.broadcast %and3A_14 : i32 to vector<1024x256xi32>
    %and3A_16 = arith.andi %shift_right_arithmetic3A_13, %and3A_15 : vector<1024x256xi32>
    %eq3A_17 = arith.constant 1 : i32
    %eq3A_18 = vector.broadcast %eq3A_17 : i32 to vector<1024x256xi32>
    %eq3A_19 = arith.cmpi eq, %and3A_16, %eq3A_18 : vector<1024x256xi32>
    %roll3A_20 = arith.constant 2 : i32
    %roll3A_21 = tpu.dynamic_rotate %select_n3A by %roll3A_20 dim 0 : vector<1024x256xf32>, i32 -> vector<1024x256xf32>
    %roll3A_22 = arith.constant 1022 : i32
    %roll3A_23 = tpu.dynamic_rotate %select_n3A by %roll3A_22 dim 0 : vector<1024x256xf32>, i32 -> vector<1024x256xf32>
    %select_n3A_24 = arith.select %eq3A_19, %roll3A_21, %roll3A_23 : vector<1024x256xi1>, vector<1024x256xf32>
    %shift_right_arithmetic3A_25 = arith.constant 2 : i32
    %shift_right_arithmetic3A_26 = vector.broadcast %shift_right_arithmetic3A_25 : i32 to vector<1024x256xi32>
    %shift_right_arithmetic3A_27 = arith.shrsi %iota3A, %shift_right_arithmetic3A_26 : vector<1024x256xi32>
    %and3A_28 = arith.constant 1 : i32
    %and3A_29 = vector.broadcast %and3A_28 : i32 to vector<1024x256xi32>
    %and3A_30 = arith.andi %shift_right_arithmetic3A_27, %and3A_29 : vector<1024x256xi32>
    %eq3A_31 = arith.constant 1 : i32
    %eq3A_32 = vector.broadcast %eq3A_31 : i32 to vector<1024x256xi32>
    %eq3A_33 = arith.cmpi eq, %and3A_30, %eq3A_32 : vector<1024x256xi32>
    %roll3A_34 = arith.constant 4 : i32
    %roll3A_35 = tpu.dynamic_rotate %select_n3A_24 by %roll3A_34 dim 0 : vector<1024x256xf32>, i32 -> vector<1024x256xf32>
    %roll3A_36 = arith.constant 1020 : i32
    %roll3A_37 = tpu.dynamic_rotate %select_n3A_24 by %roll3A_36 dim 0 : vector<1024x256xf32>, i32 -> vector<1024x256xf32>
    %select_n3A_38 = arith.select %eq3A_33, %roll3A_35, %roll3A_37 : vector<1024x256xi1>, vector<1024x256xf32>
    %shift_right_arithmetic3A_39 = arith.constant 3 : i32
    %shift_right_arithmetic3A_40 = vector.broadcast %shift_right_arithmetic3A_39 : i32 to vector<1024x256xi32>
    %shift_right_arithmetic3A_41 = arith.shrsi %iota3A, %shift_right_arithmetic3A_40 : vector<1024x256xi32>
    %and3A_42 = arith.constant 1 : i32
    %and3A_43 = vector.broadcast %and3A_42 : i32 to vector<1024x256xi32>
    %and3A_44 = arith.andi %shift_right_arithmetic3A_41, %and3A_43 : vector<1024x256xi32>
    %eq3A_45 = arith.constant 1 : i32
    %eq3A_46 = vector.broadcast %eq3A_45 : i32 to vector<1024x256xi32>
    %eq3A_47 = arith.cmpi eq, %and3A_44, %eq3A_46 : vector<1024x256xi32>
    %roll3A_48 = arith.constant 8 : i32
    %roll3A_49 = tpu.dynamic_rotate %select_n3A_38 by %roll3A_48 dim 0 : vector<1024x256xf32>, i32 -> vector<1024x256xf32>
    %roll3A_50 = arith.constant 1016 : i32
    %roll3A_51 = tpu.dynamic_rotate %select_n3A_38 by %roll3A_50 dim 0 : vector<1024x256xf32>, i32 -> vector<1024x256xf32>
    %select_n3A_52 = arith.select %eq3A_47, %roll3A_49, %roll3A_51 : vector<1024x256xi1>, vector<1024x256xf32>
    %shift_right_arithmetic3A_53 = arith.constant 4 : i32
    %shift_right_arithmetic3A_54 = vector.broadcast %shift_right_arithmetic3A_53 : i32 to vector<1024x256xi32>
    %shift_right_arithmetic3A_55 = arith.shrsi %iota3A, %shift_right_arithmetic3A_54 : vector<1024x256xi32>
    %and3A_56 = arith.constant 1 : i32
    %and3A_57 = vector.broadcast %and3A_56 : i32 to vector<1024x256xi32>
    %and3A_58 = arith.andi %shift_right_arithmetic3A_55, %and3A_57 : vector<1024x256xi32>
    %eq3A_59 = arith.constant 1 : i32
    %eq3A_60 = vector.broadcast %eq3A_59 : i32 to vector<1024x256xi32>
    %eq3A_61 = arith.cmpi eq, %and3A_58, %eq3A_60 : vector<1024x256xi32>
    %roll3A_62 = arith.constant 16 : i32
    %roll3A_63 = tpu.dynamic_rotate %select_n3A_52 by %roll3A_62 dim 0 : vector<1024x256xf32>, i32 -> vector<1024x256xf32>
    %roll3A_64 = arith.constant 1008 : i32
    %roll3A_65 = tpu.dynamic_rotate %select_n3A_52 by %roll3A_64 dim 0 : vector<1024x256xf32>, i32 -> vector<1024x256xf32>
    %select_n3A_66 = arith.select %eq3A_61, %roll3A_63, %roll3A_65 : vector<1024x256xi1>, vector<1024x256xf32>
    %shift_right_arithmetic3A_67 = arith.constant 5 : i32
    %shift_right_arithmetic3A_68 = vector.broadcast %shift_right_arithmetic3A_67 : i32 to vector<1024x256xi32>
    %shift_right_arithmetic3A_69 = arith.shrsi %iota3A, %shift_right_arithmetic3A_68 : vector<1024x256xi32>
    %and3A_70 = arith.constant 1 : i32
    %and3A_71 = vector.broadcast %and3A_70 : i32 to vector<1024x256xi32>
    %and3A_72 = arith.andi %shift_right_arithmetic3A_69, %and3A_71 : vector<1024x256xi32>
    %eq3A_73 = arith.constant 1 : i32
    %eq3A_74 = vector.broadcast %eq3A_73 : i32 to vector<1024x256xi32>
    %eq3A_75 = arith.cmpi eq, %and3A_72, %eq3A_74 : vector<1024x256xi32>
    %roll3A_76 = arith.constant 32 : i32
    %roll3A_77 = tpu.dynamic_rotate %select_n3A_66 by %roll3A_76 dim 0 : vector<1024x256xf32>, i32 -> vector<1024x256xf32>
    %roll3A_78 = arith.constant 992 : i32
    %roll3A_79 = tpu.dynamic_rotate %select_n3A_66 by %roll3A_78 dim 0 : vector<1024x256xf32>, i32 -> vector<1024x256xf32>
    %select_n3A_80 = arith.select %eq3A_75, %roll3A_77, %roll3A_79 : vector<1024x256xi1>, vector<1024x256xf32>
    %shift_right_arithmetic3A_81 = arith.constant 6 : i32
    %shift_right_arithmetic3A_82 = vector.broadcast %shift_right_arithmetic3A_81 : i32 to vector<1024x256xi32>
    %shift_right_arithmetic3A_83 = arith.shrsi %iota3A, %shift_right_arithmetic3A_82 : vector<1024x256xi32>
    %and3A_84 = arith.constant 1 : i32
    %and3A_85 = vector.broadcast %and3A_84 : i32 to vector<1024x256xi32>
    %and3A_86 = arith.andi %shift_right_arithmetic3A_83, %and3A_85 : vector<1024x256xi32>
    %eq3A_87 = arith.constant 1 : i32
    %eq3A_88 = vector.broadcast %eq3A_87 : i32 to vector<1024x256xi32>
    %eq3A_89 = arith.cmpi eq, %and3A_86, %eq3A_88 : vector<1024x256xi32>
    %roll3A_90 = arith.constant 64 : i32
    %roll3A_91 = tpu.dynamic_rotate %select_n3A_80 by %roll3A_90 dim 0 : vector<1024x256xf32>, i32 -> vector<1024x256xf32>
    %roll3A_92 = arith.constant 960 : i32
    %roll3A_93 = tpu.dynamic_rotate %select_n3A_80 by %roll3A_92 dim 0 : vector<1024x256xf32>, i32 -> vector<1024x256xf32>
    %select_n3A_94 = arith.select %eq3A_89, %roll3A_91, %roll3A_93 : vector<1024x256xi1>, vector<1024x256xf32>
    %shift_right_arithmetic3A_95 = arith.constant 7 : i32
    %shift_right_arithmetic3A_96 = vector.broadcast %shift_right_arithmetic3A_95 : i32 to vector<1024x256xi32>
    %shift_right_arithmetic3A_97 = arith.shrsi %iota3A, %shift_right_arithmetic3A_96 : vector<1024x256xi32>
    %and3A_98 = arith.constant 1 : i32
    %and3A_99 = vector.broadcast %and3A_98 : i32 to vector<1024x256xi32>
    %and3A_100 = arith.andi %shift_right_arithmetic3A_97, %and3A_99 : vector<1024x256xi32>
    %eq3A_101 = arith.constant 1 : i32
    %eq3A_102 = vector.broadcast %eq3A_101 : i32 to vector<1024x256xi32>
    %eq3A_103 = arith.cmpi eq, %and3A_100, %eq3A_102 : vector<1024x256xi32>
    %roll3A_104 = arith.constant 128 : i32
    %roll3A_105 = tpu.dynamic_rotate %select_n3A_94 by %roll3A_104 dim 0 : vector<1024x256xf32>, i32 -> vector<1024x256xf32>
    %roll3A_106 = arith.constant 896 : i32
    %roll3A_107 = tpu.dynamic_rotate %select_n3A_94 by %roll3A_106 dim 0 : vector<1024x256xf32>, i32 -> vector<1024x256xf32>
    %select_n3A_108 = arith.select %eq3A_103, %roll3A_105, %roll3A_107 : vector<1024x256xi1>, vector<1024x256xf32>
    %shift_right_arithmetic3A_109 = arith.constant 8 : i32
    %shift_right_arithmetic3A_110 = vector.broadcast %shift_right_arithmetic3A_109 : i32 to vector<1024x256xi32>
    %shift_right_arithmetic3A_111 = arith.shrsi %iota3A, %shift_right_arithmetic3A_110 : vector<1024x256xi32>
    %and3A_112 = arith.constant 1 : i32
    %and3A_113 = vector.broadcast %and3A_112 : i32 to vector<1024x256xi32>
    %and3A_114 = arith.andi %shift_right_arithmetic3A_111, %and3A_113 : vector<1024x256xi32>
    %eq3A_115 = arith.constant 1 : i32
    %eq3A_116 = vector.broadcast %eq3A_115 : i32 to vector<1024x256xi32>
    %eq3A_117 = arith.cmpi eq, %and3A_114, %eq3A_116 : vector<1024x256xi32>
    %roll3A_118 = arith.constant 256 : i32
    %roll3A_119 = tpu.dynamic_rotate %select_n3A_108 by %roll3A_118 dim 0 : vector<1024x256xf32>, i32 -> vector<1024x256xf32>
    %roll3A_120 = arith.constant 768 : i32
    %roll3A_121 = tpu.dynamic_rotate %select_n3A_108 by %roll3A_120 dim 0 : vector<1024x256xf32>, i32 -> vector<1024x256xf32>
    %select_n3A_122 = arith.select %eq3A_117, %roll3A_119, %roll3A_121 : vector<1024x256xi1>, vector<1024x256xf32>
    %shift_right_arithmetic3A_123 = arith.constant 9 : i32
    %shift_right_arithmetic3A_124 = vector.broadcast %shift_right_arithmetic3A_123 : i32 to vector<1024x256xi32>
    %shift_right_arithmetic3A_125 = arith.shrsi %iota3A, %shift_right_arithmetic3A_124 : vector<1024x256xi32>
    %and3A_126 = arith.constant 1 : i32
    %and3A_127 = vector.broadcast %and3A_126 : i32 to vector<1024x256xi32>
    %and3A_128 = arith.andi %shift_right_arithmetic3A_125, %and3A_127 : vector<1024x256xi32>
    %eq3A_129 = arith.constant 1 : i32
    %eq3A_130 = vector.broadcast %eq3A_129 : i32 to vector<1024x256xi32>
    %eq3A_131 = arith.cmpi eq, %and3A_128, %eq3A_130 : vector<1024x256xi32>
    %roll3A_132 = arith.constant 512 : i32
    %roll3A_133 = tpu.dynamic_rotate %select_n3A_122 by %roll3A_132 dim 0 : vector<1024x256xf32>, i32 -> vector<1024x256xf32>
    %roll3A_134 = arith.constant 512 : i32
    %roll3A_135 = tpu.dynamic_rotate %select_n3A_122 by %roll3A_134 dim 0 : vector<1024x256xf32>, i32 -> vector<1024x256xf32>
    %select_n3A_136 = arith.select %eq3A_131, %roll3A_133, %roll3A_135 : vector<1024x256xi1>, vector<1024x256xf32>
    %roll3A_137 = arith.constant 1023 : i32
    %roll3A_138 = tpu.dynamic_rotate %select_n3A_136 by %roll3A_137 dim 0 : vector<1024x256xf32>, i32 -> vector<1024x256xf32>
    %slice3A = vector.extract_strided_slice %roll3A_138 {offsets = [0, 0], sizes = [1016, 256], strides = [1, 1]} : vector<1024x256xf32> to vector<1016x256xf32>
    %swap3A = arith.constant 0 : index
    %swap3A_139 = arith.constant 0 : index
    %swap3A_140 = arith.constant 0 : index
    %swap3A_141 = vector.load %arg2[%swap3A, %swap3A_139, %swap3A_140] : memref<8x1016x256xf32, #tpu.memory_space<vmem>>, vector<1x1016x256xf32>
    %swap3A_142 = vector.shape_cast %swap3A_141 : vector<1x1016x256xf32> to vector<1016x256xf32>
    %swap3A_143 = vector.shape_cast %slice3A : vector<1016x256xf32> to vector<1x1016x256xf32>
    tpu.vector_store %arg2[%swap3A, %swap3A_139, %swap3A_140], %swap3A_143 {strides = array<i32>} : memref<8x1016x256xf32, #tpu.memory_space<vmem>>, vector<1x1016x256xf32>,
    %roll3A_144 = arith.constant 1022 : i32
    %roll3A_145 = tpu.dynamic_rotate %select_n3A_136 by %roll3A_144 dim 0 : vector<1024x256xf32>, i32 -> vector<1024x256xf32>
    %slice3A_146 = vector.extract_strided_slice %roll3A_145 {offsets = [0, 0], sizes = [1016, 256], strides = [1, 1]} : vector<1024x256xf32> to vector<1016x256xf32>
    %swap3A_147 = arith.constant 1 : index
    %swap3A_148 = arith.constant 0 : index
    %swap3A_149 = arith.constant 0 : index
    %swap3A_150 = vector.load %arg2[%swap3A_147, %swap3A_148, %swap3A_149] : memref<8x1016x256xf32, #tpu.memory_space<vmem>>, vector<1x1016x256xf32>
    %swap3A_151 = vector.shape_cast %swap3A_150 : vector<1x1016x256xf32> to vector<1016x256xf32>
    %swap3A_152 = vector.shape_cast %slice3A_146 : vector<1016x256xf32> to vector<1x1016x256xf32>
    tpu.vector_store %arg2[%swap3A_147, %swap3A_148, %swap3A_149], %swap3A_152 {strides = array<i32>} : memref<8x1016x256xf32, #tpu.memory_space<vmem>>, vector<1x1016x256xf32>,
    %roll3A_153 = arith.constant 1021 : i32
    %roll3A_154 = tpu.dynamic_rotate %select_n3A_136 by %roll3A_153 dim 0 : vector<1024x256xf32>, i32 -> vector<1024x256xf32>
    %slice3A_155 = vector.extract_strided_slice %roll3A_154 {offsets = [0, 0], sizes = [1016, 256], strides = [1, 1]} : vector<1024x256xf32> to vector<1016x256xf32>
    %swap3A_156 = arith.constant 2 : index
    %swap3A_157 = arith.constant 0 : index
    %swap3A_158 = arith.constant 0 : index
    %swap3A_159 = vector.load %arg2[%swap3A_156, %swap3A_157, %swap3A_158] : memref<8x1016x256xf32, #tpu.memory_space<vmem>>, vector<1x1016x256xf32>
    %swap3A_160 = vector.shape_cast %swap3A_159 : vector<1x1016x256xf32> to vector<1016x256xf32>
    %swap3A_161 = vector.shape_cast %slice3A_155 : vector<1016x256xf32> to vector<1x1016x256xf32>
    tpu.vector_store %arg2[%swap3A_156, %swap3A_157, %swap3A_158], %swap3A_161 {strides = array<i32>} : memref<8x1016x256xf32, #tpu.memory_space<vmem>>, vector<1x1016x256xf32>,
    %roll3A_162 = arith.constant 1020 : i32
    %roll3A_163 = tpu.dynamic_rotate %select_n3A_136 by %roll3A_162 dim 0 : vector<1024x256xf32>, i32 -> vector<1024x256xf32>
    %slice3A_164 = vector.extract_strided_slice %roll3A_163 {offsets = [0, 0], sizes = [1016, 256], strides = [1, 1]} : vector<1024x256xf32> to vector<1016x256xf32>
    %swap3A_165 = arith.constant 3 : index
    %swap3A_166 = arith.constant 0 : index
    %swap3A_167 = arith.constant 0 : index
    %swap3A_168 = vector.load %arg2[%swap3A_165, %swap3A_166, %swap3A_167] : memref<8x1016x256xf32, #tpu.memory_space<vmem>>, vector<1x1016x256xf32>
    %swap3A_169 = vector.shape_cast %swap3A_168 : vector<1x1016x256xf32> to vector<1016x256xf32>
    %swap3A_170 = vector.shape_cast %slice3A_164 : vector<1016x256xf32> to vector<1x1016x256xf32>
    tpu.vector_store %arg2[%swap3A_165, %swap3A_166, %swap3A_167], %swap3A_170 {strides = array<i32>} : memref<8x1016x256xf32, #tpu.memory_space<vmem>>, vector<1x1016x256xf32>,
    %roll3A_171 = arith.constant 1019 : i32
    %roll3A_172 = tpu.dynamic_rotate %select_n3A_136 by %roll3A_171 dim 0 : vector<1024x256xf32>, i32 -> vector<1024x256xf32>
    %slice3A_173 = vector.extract_strided_slice %roll3A_172 {offsets = [0, 0], sizes = [1016, 256], strides = [1, 1]} : vector<1024x256xf32> to vector<1016x256xf32>
    %swap3A_174 = arith.constant 4 : index
    %swap3A_175 = arith.constant 0 : index
    %swap3A_176 = arith.constant 0 : index
    %swap3A_177 = vector.load %arg2[%swap3A_174, %swap3A_175, %swap3A_176] : memref<8x1016x256xf32, #tpu.memory_space<vmem>>, vector<1x1016x256xf32>
    %swap3A_178 = vector.shape_cast %swap3A_177 : vector<1x1016x256xf32> to vector<1016x256xf32>
    %swap3A_179 = vector.shape_cast %slice3A_173 : vector<1016x256xf32> to vector<1x1016x256xf32>
    tpu.vector_store %arg2[%swap3A_174, %swap3A_175, %swap3A_176], %swap3A_179 {strides = array<i32>} : memref<8x1016x256xf32, #tpu.memory_space<vmem>>, vector<1x1016x256xf32>,
    %roll3A_180 = arith.constant 1018 : i32
    %roll3A_181 = tpu.dynamic_rotate %select_n3A_136 by %roll3A_180 dim 0 : vector<1024x256xf32>, i32 -> vector<1024x256xf32>
    %slice3A_182 = vector.extract_strided_slice %roll3A_181 {offsets = [0, 0], sizes = [1016, 256], strides = [1, 1]} : vector<1024x256xf32> to vector<1016x256xf32>
    %swap3A_183 = arith.constant 5 : index
    %swap3A_184 = arith.constant 0 : index
    %swap3A_185 = arith.constant 0 : index
    %swap3A_186 = vector.load %arg2[%swap3A_183, %swap3A_184, %swap3A_185] : memref<8x1016x256xf32, #tpu.memory_space<vmem>>, vector<1x1016x256xf32>
    %swap3A_187 = vector.shape_cast %swap3A_186 : vector<1x1016x256xf32> to vector<1016x256xf32>
    %swap3A_188 = vector.shape_cast %slice3A_182 : vector<1016x256xf32> to vector<1x1016x256xf32>
    tpu.vector_store %arg2[%swap3A_183, %swap3A_184, %swap3A_185], %swap3A_188 {strides = array<i32>} : memref<8x1016x256xf32, #tpu.memory_space<vmem>>, vector<1x1016x256xf32>,
    %roll3A_189 = arith.constant 1017 : i32
    %roll3A_190 = tpu.dynamic_rotate %select_n3A_136 by %roll3A_189 dim 0 : vector<1024x256xf32>, i32 -> vector<1024x256xf32>
    %slice3A_191 = vector.extract_strided_slice %roll3A_190 {offsets = [0, 0], sizes = [1016, 256], strides = [1, 1]} : vector<1024x256xf32> to vector<1016x256xf32>
    %swap3A_192 = arith.constant 6 : index
    %swap3A_193 = arith.constant 0 : index
    %swap3A_194 = arith.constant 0 : index
    %swap3A_195 = vector.load %arg2[%swap3A_192, %swap3A_193, %swap3A_194] : memref<8x1016x256xf32, #tpu.memory_space<vmem>>, vector<1x1016x256xf32>
    %swap3A_196 = vector.shape_cast %swap3A_195 : vector<1x1016x256xf32> to vector<1016x256xf32>
    %swap3A_197 = vector.shape_cast %slice3A_191 : vector<1016x256xf32> to vector<1x1016x256xf32>
    tpu.vector_store %arg2[%swap3A_192, %swap3A_193, %swap3A_194], %swap3A_197 {strides = array<i32>} : memref<8x1016x256xf32, #tpu.memory_space<vmem>>, vector<1x1016x256xf32>,
    %roll3A_198 = arith.constant 1016 : i32
    %roll3A_199 = tpu.dynamic_rotate %select_n3A_136 by %roll3A_198 dim 0 : vector<1024x256xf32>, i32 -> vector<1024x256xf32>
    %slice3A_200 = vector.extract_strided_slice %roll3A_199 {offsets = [0, 0], sizes = [1016, 256], strides = [1, 1]} : vector<1024x256xf32> to vector<1016x256xf32>
    %swap3A_201 = arith.constant 7 : index
    %swap3A_202 = arith.constant 0 : index
    %swap3A_203 = arith.constant 0 : index
    %swap3A_204 = vector.load %arg2[%swap3A_201, %swap3A_202, %swap3A_203] : memref<8x1016x256xf32, #tpu.memory_space<vmem>>, vector<1x1016x256xf32>
    %swap3A_205 = vector.shape_cast %swap3A_204 : vector<1x1016x256xf32> to vector<1016x256xf32>
    %swap3A_206 = vector.shape_cast %slice3A_200 : vector<1016x256xf32> to vector<1x1016x256xf32>
    tpu.vector_store %arg2[%swap3A_201, %swap3A_202, %swap3A_203], %swap3A_206 {strides = array<i32>} : memref<8x1016x256xf32, #tpu.memory_space<vmem>>, vector<1x1016x256xf32>,
    return
  }
  func.func @transform_0(%arg0: i32) -> (i32, i32) {
    %c0_i32 = arith.constant 0 : i32
    %c0_i32_0 = arith.constant 0 : i32
    %c0_i32_1 = arith.constant 0 : i32
    return %c0_i32, %c0_i32_0 : i32, i32
  }
  func.func @transform_1(%arg0: i32) -> (i32, i32, i32) {
    %c0_i32 = arith.constant 0 : i32
    %c0_i32_0 = arith.constant 0 : i32
    %c0_i32_1 = arith.constant 0 : i32
    %c0_i32_2 = arith.constant 0 : i32
    return %c0_i32, %c0_i32_0, %c0_i32_1 : i32, i32, i32
  }
}

</mosaic_0001>

<sc_bundles>
// kernel: kernel.4.cloned.1.call-start
scs
__scs_entry_jumppad:
0x0: {  	(pc) =	sbr.rel $0x88, $3  }
0x1: {  	(tag) =	ssettag $0x0;
	lr =	simm.s32 $0x1  }
0x2: {  	[smem:$0x3F9F] =	sst lr;
	_ =	strace $0xD0000000  }
0x3: {  	_ = 	snop  }
0x4: {  	_ = 	snop  }
0x5: {  	_ = 	snop  }
0x6: {  	_ = 	snop  }
0x7: {  	_ = 	snop  }
__scs_overlays_trampoline_lowered:
0x8: {  	[smem:$0x3FAE] =	sst s0  }
0x9: {  	[smem:$0x3FAF] =	sst s1  }
0xa: {  	[smem:$0x3FB0] =	sst s2  }
0xb: {  	[smem:$0x3FB1] =	sst s3  }
0xc: {  	[smem:$0x3FB2] =	sst s4  }
0xd: {  	[smem:$0x3FB3] =	sst s5  }
0xe: {  	[smem:$0x3FB4] =	sst s6  }
0xf: {  	[smem:$0x3FB5] =	sst s7  }
0x10: {  	[smem:$0x3FB6] =	sst s8  }
0x11: {  	[smem:$0x3FB7] =	sst s9;
	s0 =	simm.s32 @!p0 $0x0  }
0x12: {  	s1 =	sld [smem:$0x3F9D];
	s0 =	simm.s32 @p0 $0x1  }
0x13: {  	[smem:$0x3FB8] =	sst s0;
	s0 =	simm.s32 @!p1 $0x0  }
0x14: {  	s2 =	sld [smem:$0x3F9C];
	s0 =	simm.s32 @p1 $0x1  }
0x15: {  	[smem:$0x3FB9] =	sst s0;
	s0 =	simm.s32 @!p2 $0x0  }
0x16: {  	s3 =	sld [smem:$0x3FDB];
	s0 =	simm.s32 @p2 $0x1  }
0x17: {  	s4 =	simm.s32 $0x1BF5;
	[smem:$0x3FBB] =	sst s0  }
0x18: {  	s0 =	sld [smem:$0x3F9E];
	_ =	swait.ge [sflag:s4], $0x0  }
0x19: {  	s7 =	sld [smem:$0x3F9F]  }
0x1a: {  	s8 =	sadd.s32 $0xFFFFE003, lr  }
0x1b: {  	s9 =	sadd.s32 $0xFFFFFEF7, lr;
	s5 =	simm.s32 $0xFFFFFFFF;
	p2 =	slt.u32 s8, $0xFFFFF086  }
0x1c: {  	p1 =	slt.u32 s9, $0xF7A;
	s5 =	simm.s32 @!p2 $0x0  }
0x1d: {  	s5 =	simm.s32 @p1 $0x1;
	p0 =	seq.s32 s7, s2  }
0x1e: {  	s7 =	smul.u32 @!p0 $0xF7A, s2;
	p2 =	seq.s32 @!p0 s5, $0x0  }
0x1f: {  	s9 =	smul.u32 $0xF7A, s1;
	s8 =	simm.s32 @!p0 $0x1BF5;
	p2 =	por !p2, p0  }
0x20: {  	[sflag:s8] =	ssyncset.s32 @!p0 $0xFFFFF086;
	s6 =	sadd.s32 @!p0 s3, s7;
	s7 =	simm.s32 @!p0 $0x108  }
0x21: {  	s3 =	sadd.s32 s3, s9;
	s6 =	sadd.s32 @!p0 $0x88, s6;
	s7 =	simm.s32 @p2 $0x1082  }
0x22: {  	[simem:s7], [sflag:s8] =	dma.local @!p0 [hbm:s6], $0xF7A  }
0x23: {  	s9 =	sor.u32 $0xD0000000, s2;
	s6 =	simm.s32 $0x108;
	_ =	swait.ge @!p0 [sflag:s8], $0x0  }
0x24: {  	s3 =	sadd.s32 $0x88, s3;
	s6 =	simm.s32 @!p1 $0x1082;
	[sflag:s4] =	ssyncset.s32 $0xFFFFF086  }
0x25: {  	[simem:s6], [sflag:s4] =	dma.local [hbm:s3], $0xF7A  }
0x26: {  	[smem:$0x3F9F] =	sst s1;
	(tag) =	ssettag s2;
	_ =	strace s9  }
0x27: {  	s1 =	sld [smem:$0x3FAF]  }
0x28: {  	s2 =	sld [smem:$0x3FB0]  }
0x29: {  	s4 =	sld [smem:$0x3FB2]  }
0x2a: {  	p0 =	seq.s32 s5, $0x0;
	s5 =	sld [smem:$0x3FB3]  }
0x2b: {  	s6 =	sld [smem:$0x3FB4]  }
0x2c: {  	s7 =	sld [smem:$0x3FB5]  }
0x2d: {  	s3 =	simm.s32 $0x108;
	s8 =	sld [smem:$0x3FB6]  }
0x2e: {  	s3 =	simm.s32 @!p0 $0x1082;
	s9 =	sld [smem:$0x3FB7]  }
0x2f: {  	lr =	sadd.s32 s0, s3;
	s0 =	sld [smem:$0x3FAE]  }
0x30: {  	s3 =	sld [smem:$0x3FB1]  }
0x31: {  	[smem:$0x3FBA] =	sst s10  }
0x32: {  	s10 =	sld [smem:$0x3FB8];
	_ =	sdelay $0x3  }
0x33: {  	p0 =	seq.s32 s10, $0x1;
	s10 =	sld [smem:$0x3FBA];
	_ =	sdelay $0x3  }
0x34: {  	[smem:$0x3FBA] =	sst s10  }
0x35: {  	s10 =	sld [smem:$0x3FB9];
	_ =	sdelay $0x3  }
0x36: {  	p1 =	seq.s32 s10, $0x1;
	s10 =	sld [smem:$0x3FBA];
	_ =	sdelay $0x3  }
0x37: {  	[smem:$0x3FBA] =	sst s10  }
0x38: {  	s10 =	sld [smem:$0x3FBB]  }
0x39: {  	_ = 	snop;
	(pc) =	sbr.ind lr, $3  }
0x3a: {  	_ = 	snop  }
0x3b: {  	_ = 	snop  }
0x3c: {  	p2 =	seq.s32 s10, $0x1;
	s10 =	sld [smem:$0x3FBA]  }
0x3d: {  	_ =	shalt  }
0x3e: {  	_ =	shalt  }
0x3f: {  	_ =	shalt  }
0x40: {  	_ =	shalt  }
0x41: {  	_ =	shalt  }
0x42: {  	_ =	shalt  }
0x43: {  	_ =	shalt  }
0x44: {  	_ =	shalt  }
0x45: {  	_ =	shalt  }
0x46: {  	_ =	shalt  }
0x47: {  	_ =	shalt  }
0x48: {  	_ =	shalt  }
0x49: {  	_ =	shalt  }
0x4a: {  	_ =	shalt  }
0x4b: {  	_ =	shalt  }
0x4c: {  	_ =	shalt  }
0x4d: {  	_ =	shalt  }
0x4e: {  	_ =	shalt  }
0x4f: {  	_ =	shalt  }
0x50: {  	_ =	shalt  }
0x51: {  	_ =	shalt  }
0x52: {  	_ =	shalt  }
0x53: {  	_ =	shalt  }
0x54: {  	_ =	shalt  }
0x55: {  	_ =	shalt  }
0x56: {  	_ =	shalt  }
0x57: {  	_ =	shalt  }
0x58: {  	_ =	shalt  }
0x59: {  	_ =	shalt  }
0x5a: {  	_ =	shalt  }
0x5b: {  	_ =	shalt  }
0x5c: {  	_ =	shalt  }
0x5d: {  	_ =	shalt  }
0x5e: {  	_ =	shalt  }
0x5f: {  	_ =	shalt  }
0x60: {  	_ =	shalt  }
0x61: {  	_ =	shalt  }
0x62: {  	_ =	shalt  }
0x63: {  	_ =	shalt  }
0x64: {  	_ =	shalt  }
0x65: {  	_ =	shalt  }
0x66: {  	_ =	shalt  }
0x67: {  	_ =	shalt  }
0x68: {  	_ =	shalt  }
0x69: {  	_ =	shalt  }
0x6a: {  	_ =	shalt  }
0x6b: {  	_ =	shalt  }
0x6c: {  	_ =	shalt  }
0x6d: {  	_ =	shalt  }
0x6e: {  	_ =	shalt  }
0x6f: {  	_ =	shalt  }
0x70: {  	_ =	shalt  }
0x71: {  	_ =	shalt  }
0x72: {  	_ =	shalt  }
0x73: {  	_ =	shalt  }
0x74: {  	_ =	shalt  }
0x75: {  	_ =	shalt  }
0x76: {  	_ =	shalt  }
0x77: {  	_ =	shalt  }
0x78: {  	_ =	shalt  }
0x79: {  	_ =	shalt  }
0x7a: {  	_ =	shalt  }
0x7b: {  	_ =	shalt  }
0x7c: {  	_ =	shalt  }
0x7d: {  	_ =	shalt  }
0x7e: {  	_ =	shalt  }
0x7f: {  	_ =	shalt  }
0x80: {  	_ =	shalt  }
0x81: {  	_ =	shalt  }
0x82: {  	_ =	shalt  }
0x83: {  	_ =	shalt  }
0x84: {  	_ =	shalt  }
0x85: {  	_ =	shalt  }
0x86: {  	_ =	shalt  }
0x87: {  	_ =	shalt  }
.Lfunc_end0:
.L_simem_size_0:
called_computation_lowered:
.L_overlay_start_0:
0x88: {  	s2 =	sld [smem:$0x3FD9]  }
0x89: {  	s3 =	sld [smem:$0x3FFE];
	_ =	sdelay $0x1  }
0x8a: {  	s1 =	srdreg.scid  }
0x8b: {  	s0 =	sand.u32 $0x1, s1  }
0x8c: {  	s14 =	sshll.u32 s0, $0xA;
	s2 =	sadd.s32 s3, s2  }
0x8d: {  	s2 =	sadd.s32 s2, s14  }
0x8e: {  	[smem:$0x3FC6] =	sst s2  }
0x8f: {  	_ = 	snop  }
0x90: {  	s2 =	sld [smem:$0x3FD0];
	_ =	sdelay $0x2  }
0x91: {  	s15 =	simm.s32 $0xA;
	s4 =	simm.s32 $0x10  }
0x92: {  	[smem:s4], [sflag:s15] =	dma.local [hbm:s2], $0x1  }
0x93: {  	_ =	swait.eq [sflag:s15], $0x1  }
0x94: {  	[sflag:s15] =	ssyncset.done $0x0  }
0x95: {  	[sflag:s15] =	ssyncadd.s32 $0xFFFFFFFF  }
0x96: {  	s16 =	sld [smem:$0x11];
	(tm) =	ssettm $0x1  }
0x97: {  	s17 =	sld [smem:$0x3FFB];
	_ =	sdelay $0x3  }
0x98: {  	_ =	strace s17  }
0x99: {  	s3 =	sld [smem:$0x3FFC];
	_ =	sdelay $0x3  }
0x9a: {  	_ =	strace s3  }
0x9b: {  	s3 =	sld [smem:$0x3FFD];
	_ =	sdelay $0x3  }
0x9c: {  	_ =	strace s3  }
0x9d: {  	_ =	strace $0x8FFFFFFF  }
0x9e: {  	s18 =	sld [smem:$0x3FDB];
	_ =	sdelay $0x1  }
0x9f: {  	s19 =	simm.s32 $_scs_section_size  }
0xa0: {  	s5 =	simm.s32 $_size__tile_overlayer_lowered;
	s6 =	simm.s32 $_tile_overlayer_lowered  }
0xa1: {  	s22 =	simm.s32 $0x1BFF;
	s21 =	sshll.u32 s6, $0x1;
	s3 =	sadd.s32 s19, s18  }
0xa2: {  	s7 =	simm.s32 $0x0;
	s20 =	sshll.u32 s5, $0x1;
	s5 =	sadd.s32 s21, s3  }
0xa3: {  	[timem:s7], [sflag:s22] =	dma.local [hbm:s5], s20  }
0xa4: {  	_ =	swait.ge [sflag:s22], s20  }
0xa5: {  	s4 =	ssub.s32 $0x0, s20;
	[sflag:s22] =	ssyncset.done $0x0  }
0xa6: {  	[sflag:s22] =	ssyncadd.s32 s4;
	_ =	sdelay $0x1  }
0xa7: {  	s23 =	simm.s32 $0x1B8B  }
0xa8: {  	_ =	swait.ge [sflag:s23], $0x1  }
0xa9: {  	[sflag:s23] =	ssyncset.done $0x0  }
0xaa: {  	s25 =	simm.s32 $0x1B8E;
	s24 =	sld [smem:$0x3FFE];
	[sflag:s23] =	ssyncadd.s32 $0xFFFFFFFF  }
0xab: {  	s26 =	simm.s32 $execute0_lowered;
	[smem:$0x3FD2] =	sst s25  }
0xac: {  	s5 =	sshll.u32 s26, $0x1;
	_ =	strace $0x80000046;
	[dreg:$0x1] =	wrdreg $0xFFFFFFFF  }
0xad: {  	s28 =	simm.s32 $_size_execute0_lowered;
	s3 =	sadd.s32 s3, s5;
	[dreg:$0x0] =	wrdreg $0x0  }
0xae: {  	s5 =	sshll.u32 s28, $0x1;
	[dreg:$0x2] =	wrdreg s3  }
0xaf: {  	[dreg:$0x3] =	wrdreg s5  }
0xb0: {  	[dreg:$0x4] =	wrdreg $0xC0  }
0xb1: {  	_ =	task [dreg:s7], $0x5FFFF  }
0xb2: {  	[dreg:$0x1] =	wrdreg $0xFFFFFFFF  }
0xb3: {  	[dreg:$0x0] =	wrdreg $0x60  }
0xb4: {  	[dreg:$0x2] =	wrdreg s24  }
0xb5: {  	[dreg:$0x3] =	wrdreg s16  }
0xb6: {  	[dreg:$0x4] =	wrdreg $0x0  }
0xb7: {  	[dreg:$0x5] =	wrdreg $0x9  }
0xb8: {  	_ =	task.clear_ibuf [dreg:s7], $0x6FFFF;
	_ =	strace $0x90000046  }
0xb9: {  	s29 =	simm.s32 $0x9;
	_ =	strace $0x80000048  }
0xba: {  	_ =	swait.ge [sflag:s29], $0x1  }
0xbb: {  	[sflag:s29] =	ssyncadd.s32 $0xFFFFFFFF  }
0xbc: {  	_ =	strace $0x90000048  }
0xbd: {  	_ =	sfence  }
0xbe: {  	s30 =	sld [smem:$0x0];
	_ =	sdelay $0x2  }
0xbf: {  	s31 =	sshll.u32 s1, $0xD;
	s1 =	sshrl.u32 s1, $0x2  }
0xc0: {  	s3 =	sand.u32 $0x4000, s31;
	s1 =	sadd.s32 s1, s30  }
0xc1: {  	s0 =	sor.u32 s3, s0;
	s1 =	sshll.u32 s1, $0x11  }
0xc2: {  	s0 =	sor.u32 s1, s0  }
0xc3: {  	s0 =	sadd.s32 $0x8F2B, s0  }
0xc4: {  	[sflag:s0] =	ssyncadd.remote.s32 $0x1  }
0xc5: {  	_ =	sfence.sel $0xFFFF  }
0xc6: {  	[dreg:$0x0] =	wrdreg $0xFFFFFFFF;
	(pc) =	sbr.abs _section_cstart, $3  }
0xc7: {  	[dreg:$0x1] =	wrdreg $0xFFFFFFFF  }
0xc8: {  	_ =	task.clear_ibuf [dreg:s7], $0x2FFFF;
	_ =	strace $0x9FFFFFFF  }
0xc9: {  	(tm) =	ssettm $0x7FFFFFFF  }
tec
execute0_lowered:
.L_overlay_start_1:
0x0: {  	(tag) =	ssettag $0x1  }
0x1: {  	s0 =	rddreg [dreg:$0x0]  }
0x2: {  	s3 =	rddreg [dreg:$0x1]  }
0x3: {  	s4 =	rddreg [dreg:$0x2]  }
0x4: {  	s2 =	srdreg.scid;
	s1 =	stileid.u32  }
0x5: {  	s5 =	simm.s32 $0x0;
	s6 =	sand.u32 $0x1, s2;
	s28 =	smul.u32 $0x3F800, s1  }
0x6: {  	[smem:$0x7FF] =	sst s5;
	s0 =	sadd.s32 $0xA00, s0;
	s9 =	sshll.u32 s1, $0x5  }
0x7: {  	s2 =	ssub.s32 $0x2, s6;
	s6 =	sshll.u32 s6, $0x4;
	s29 =	sadd.s32 $0xFFE24000, s28  }
0x8: {  	_ =	strace $0x80000047;
	s6 =	sor.u32 s6, s9;
	s8 =	sshrl.u32 s29, $0x3  }
0x9: {  	s30 =	sshrl.u32 s28, $0x3;
	s9 =	sshll.u32 s6, $0xE;
	s8 =	sadd.s32 s0, s8  }
0xa: {  	s0 =	sadd.s32 s0, s30;
	s3 =	sadd.s32 s3, s9;
	[dreg:$0x4] =	wrdreg s8  }
0xb: {  	[dreg:$0x5] =	wrdreg s0;
	s9 =	sadd.s32 $0x4000, s3  }
0xc: {  	s10 =	sadd.s32 $0x8000, s3;
	[dreg:$0x6] =	wrdreg s9  }
0xd: {  	s11 =	sadd.s32 $0xC000, s3;
	[dreg:$0x7] =	wrdreg s10  }
0xe: {  	s12 =	sadd.s32 $0x10000, s3;
	[dreg:$0x8] =	wrdreg s11  }
0xf: {  	s13 =	sadd.s32 $0x14000, s3;
	[dreg:$0x9] =	wrdreg s12  }
0x10: {  	s14 =	sadd.s32 $0x18000, s3;
	[dreg:$0xa] =	wrdreg s13  }
0x11: {  	s15 =	sadd.s32 $0x1C000, s3;
	[dreg:$0xb] =	wrdreg s14  }
0x12: {  	p1 =	por $0x0, $0x0;
	s16 =	sadd.s32 $0x20000, s3;
	[dreg:$0xc] =	wrdreg s15  }
0x13: {  	p0 =	sgt.u32 s1, $0x7;
	s17 =	sadd.s32 $0x24000, s3;
	[dreg:$0xd] =	wrdreg s16  }
0x14: {  	s7 =	sshrl.u32 s2, $0x1;
	s18 =	sadd.s32 $0x28000, s3;
	[dreg:$0xe] =	wrdreg s17  }
0x15: {  	s5 =	sadd.s32 s28, s4;
	s19 =	sadd.s32 $0x2C000, s3;
	[dreg:$0xf] =	wrdreg s18  }
0x16: {  	s2 =	ssub.s32 s2, s7;
	s20 =	sadd.s32 $0x30000, s3;
	[dreg:$0x10] =	wrdreg s19  }
0x17: {  	s7 =	sadd.s32 s29, s4;
	s21 =	sadd.s32 $0x34000, s3;
	[dreg:$0x11] =	wrdreg s20  }
0x18: {  	s8 =	sshll.u32 s6, $0x8;
	s22 =	sadd.s32 $0x38000, s3;
	[dreg:$0x12] =	wrdreg s21  }
0x19: {  	s2 =	smax.u32 s2, $0x1;
	s0 =	ssub.s32 s4, s8;
	[dreg:$0x13] =	wrdreg s22  }
0x1a: {  	s4 =	sadd.s32 $0x3C000, s3;
	s22 =	sshrl.u32 @p0 s7, $0x3;
	s21 =	sshrl.u32 @!p0 s5, $0x3  }
0x1b: {  	s6 =	sadd.s32 $0x1DC000, s0;
	s8 =	sadd.s32 $0x19C800, s0;
	s9 =	sadd.s32 $0x15D000, s0  }
0x1c: {  	s10 =	sadd.s32 $0x11D800, s0;
	s11 =	sadd.s32 $0xDE000, s0;
	s12 =	sadd.s32 $0x9E800, s0  }
0x1d: {  	s13 =	sadd.s32 $0x5F000, s0;
	s23 =	sadd.s32 $0x1F800, s0;
	s24 =	sadd.s32 $0x1DB800, s0  }
0x1e: {  	s25 =	sadd.s32 $0x19C000, s0;
	s26 =	sadd.s32 $0x15C800, s0;
	s28 =	sadd.s32 $0x11D000, s0  }
0x1f: {  	s29 =	sadd.s32 $0xDD800, s0;
	s30 =	sadd.s32 $0x9E000, s0;
	s31 =	sadd.s32 $0x5E800, s0  }
0x20: {  	s0 =	sadd.s32 $0x1F000, s0;
	s20 =	sshrl.u32 s6, $0x3;
	s19 =	sshrl.u32 s8, $0x3  }
0x21: {  	s18 =	sshrl.u32 s9, $0x3;
	s5 =	sshrl.u32 s31, $0x3;
	s31 =	sadd.s32 $0xFFFFFFFF, s2  }
0x22: {  	s17 =	sshrl.u32 s10, $0x3;
	s16 =	sshrl.u32 s11, $0x3;
	p2 =	sne.s32 s31, $0x0  }
.Ltmp0:
0x23: {  	s15 =	sshrl.u32 s12, $0x3;
	s14 =	sshrl.u32 s13, $0x3;
	(pc) =	sbr.rel @!p2 .LBB2_3-.Ltmp0, $4  }
0x24: {  	s13 =	sshrl.u32 s23, $0x3;
	s12 =	sshrl.u32 s24, $0x3;
	s11 =	sshrl.u32 s25, $0x3  }
0x25: {  	s10 =	sshrl.u32 s26, $0x3;
	s9 =	sshrl.u32 s28, $0x3;
	s8 =	sshrl.u32 s29, $0x3  }
0x26: {  	s7 =	sshrl.u32 s30, $0x3;
	s6 =	sshrl.u32 s0, $0x3;
	s2 =	simm.s32 $0x1  }
0x27: {  	s0 =	rddreg [dreg:$0x4];
	s24 =	sshll.u32 @p0 s1, $0x6;
	s23 =	sshll.u32 @!p0 s1, $0x6  }
0x28: {  	s25 =	sor.u32 @p0 $0x1C02, s24;
	s26 =	simm.s32 @p0 $0x2  }
0x29: {  	[spmem:s22], [sflag:s25] =	dma.local @p0 [hbm:s0], $0x3F00  }
0x2a: {  	_ =	swait.ge @p0 [sflag:s26], $0x3F00  }
0x2b: {  	s28 =	sor.u32 @!p0 $0x1C02, s23;
	[sflag:s26] =	ssyncset.done @p0 $0x0  }
0x2c: {  	s29 =	simm.s32 @!p0 $0x2;
	s0 =	rddreg [dreg:$0x5];
	[sflag:s26] =	ssyncadd.s32 @p0 $0xFFFFC100  }
0x2d: {  	[spmem:s21], [sflag:s28] =	dma.local @!p0 [hbm:s0], $0x4000  }
0x2e: {  	_ =	swait.ge @!p0 [sflag:s29], $0x4000  }
0x2f: {  	[sflag:s29] =	ssyncset.done @!p0 $0x0  }
0x30: {  	s0 =	sshll.u32 s1, $0x6;
	[sflag:s29] =	ssyncadd.s32 @!p0 $0xFFFFC000  }
0x31: {  	s30 =	sor.u32 $0x1C01, s0;
	[bflag:$0x0] =	sbarrier.arrive $0xFFFF  }
0x32: {  	[hbm:s3], [sflag:s30] =	dma.local [spmem:s20], $0x4000  }
0x33: {  	s0 =	rddreg [dreg:$0x6]  }
0x34: {  	[hbm:s0], [sflag:s30] =	dma.local [spmem:s19], $0x4000  }
0x35: {  	s0 =	rddreg [dreg:$0x7]  }
0x36: {  	[hbm:s0], [sflag:s30] =	dma.local [spmem:s18], $0x4000  }
0x37: {  	s0 =	rddreg [dreg:$0x8]  }
0x38: {  	[hbm:s0], [sflag:s30] =	dma.local [spmem:s17], $0x4000  }
0x39: {  	s0 =	rddreg [dreg:$0x9]  }
0x3a: {  	[hbm:s0], [sflag:s30] =	dma.local [spmem:s16], $0x4000  }
0x3b: {  	s0 =	rddreg [dreg:$0xa]  }
0x3c: {  	[hbm:s0], [sflag:s30] =	dma.local [spmem:s15], $0x4000  }
0x3d: {  	s0 =	rddreg [dreg:$0xb]  }
0x3e: {  	[hbm:s0], [sflag:s30] =	dma.local [spmem:s14], $0x4000  }
0x3f: {  	s0 =	rddreg [dreg:$0xc]  }
0x40: {  	[hbm:s0], [sflag:s30] =	dma.local [spmem:s13], $0x4000  }
0x41: {  	s0 =	rddreg [dreg:$0xd]  }
0x42: {  	[hbm:s0], [sflag:s30] =	dma.local [spmem:s12], $0x4000  }
0x43: {  	s0 =	rddreg [dreg:$0xe]  }
0x44: {  	[hbm:s0], [sflag:s30] =	dma.local [spmem:s11], $0x4000  }
0x45: {  	s0 =	rddreg [dreg:$0xf]  }
0x46: {  	[hbm:s0], [sflag:s30] =	dma.local [spmem:s10], $0x4000  }
0x47: {  	s0 =	rddreg [dreg:$0x10]  }
0x48: {  	[hbm:s0], [sflag:s30] =	dma.local [spmem:s9], $0x4000  }
0x49: {  	s0 =	rddreg [dreg:$0x11]  }
0x4a: {  	[hbm:s0], [sflag:s30] =	dma.local [spmem:s8], $0x4000  }
0x4b: {  	s0 =	rddreg [dreg:$0x12]  }
0x4c: {  	[hbm:s0], [sflag:s30] =	dma.local [spmem:s7], $0x4000  }
0x4d: {  	s0 =	rddreg [dreg:$0x13]  }
0x4e: {  	[hbm:s0], [sflag:s30] =	dma.local [spmem:s5], $0x4000  }
0x4f: {  	[hbm:s4], [sflag:s30] =	dma.local [spmem:s6], $0x4000  }
0x50: {  	_ =	swait.ge [sflag:s2], $0x4000  }
0x51: {  	[sflag:s2] =	ssyncset.done $0x0  }
0x52: {  	[sflag:s2] =	ssyncadd.s32 $0xFFFFC000  }
0x53: {  	_ =	swait.ge [sflag:s2], $0x4000  }
0x54: {  	[sflag:s2] =	ssyncset.done $0x0  }
0x55: {  	[sflag:s2] =	ssyncadd.s32 $0xFFFFC000  }
0x56: {  	_ =	swait.ge [sflag:s2], $0x4000  }
0x57: {  	[sflag:s2] =	ssyncset.done $0x0  }
0x58: {  	[sflag:s2] =	ssyncadd.s32 $0xFFFFC000  }
0x59: {  	_ =	swait.ge [sflag:s2], $0x4000  }
0x5a: {  	[sflag:s2] =	ssyncset.done $0x0  }
0x5b: {  	[sflag:s2] =	ssyncadd.s32 $0xFFFFC000  }
0x5c: {  	_ =	swait.ge [sflag:s2], $0x4000  }
0x5d: {  	[sflag:s2] =	ssyncset.done $0x0  }
0x5e: {  	[sflag:s2] =	ssyncadd.s32 $0xFFFFC000  }
0x5f: {  	_ =	swait.ge [sflag:s2], $0x4000  }
0x60: {  	[sflag:s2] =	ssyncset.done $0x0  }
0x61: {  	[sflag:s2] =	ssyncadd.s32 $0xFFFFC000  }
0x62: {  	_ =	swait.ge [sflag:s2], $0x4000  }
0x63: {  	[sflag:s2] =	ssyncset.done $0x0  }
0x64: {  	[sflag:s2] =	ssyncadd.s32 $0xFFFFC000  }
0x65: {  	_ =	swait.ge [sflag:s2], $0x4000  }
0x66: {  	[sflag:s2] =	ssyncset.done $0x0  }
0x67: {  	[sflag:s2] =	ssyncadd.s32 $0xFFFFC000  }
0x68: {  	_ =	swait.ge [sflag:s2], $0x4000  }
0x69: {  	[sflag:s2] =	ssyncset.done $0x0  }
0x6a: {  	[sflag:s2] =	ssyncadd.s32 $0xFFFFC000  }
0x6b: {  	_ =	swait.ge [sflag:s2], $0x4000  }
0x6c: {  	[sflag:s2] =	ssyncset.done $0x0  }
0x6d: {  	[sflag:s2] =	ssyncadd.s32 $0xFFFFC000  }
0x6e: {  	_ =	swait.ge [sflag:s2], $0x4000  }
0x6f: {  	[sflag:s2] =	ssyncset.done $0x0  }
0x70: {  	[sflag:s2] =	ssyncadd.s32 $0xFFFFC000  }
0x71: {  	_ =	swait.ge [sflag:s2], $0x4000  }
0x72: {  	[sflag:s2] =	ssyncset.done $0x0  }
0x73: {  	[sflag:s2] =	ssyncadd.s32 $0xFFFFC000  }
0x74: {  	_ =	swait.ge [sflag:s2], $0x4000  }
0x75: {  	[sflag:s2] =	ssyncset.done $0x0  }
0x76: {  	[sflag:s2] =	ssyncadd.s32 $0xFFFFC000  }
0x77: {  	_ =	swait.ge [sflag:s2], $0x4000  }
0x78: {  	s31 =	sadd.s32 $0xFFFFFFFF, s31;
	[sflag:s2] =	ssyncset.done $0x0  }
0x79: {  	p2 =	sne.s32 s31, $0x0;
	[sflag:s2] =	ssyncadd.s32 $0xFFFFC000  }
.Ltmp1:
0x7a: {  	_ =	swait.ge [sflag:s2], $0x4000;
	(pc) =	sbr.rel @!p2 .LBB2_3-.Ltmp1, $4  }
0x7b: {  	[sflag:s2] =	ssyncset.done $0x0  }
0x7c: {  	[sflag:s2] =	ssyncadd.s32 $0xFFFFC000  }
0x7d: {  	_ =	swait.ge [sflag:s2], $0x4000  }
0x7e: {  	p1 =	por $0x1, $0x1;
	s0 =	rddreg [dreg:$0x4];
	[sflag:s2] =	ssyncset.done $0x0  }
.LBB2_2:
0x7f: {  	[sflag:s2] =	ssyncadd.s32 $0xFFFFC000  }
0x80: {  	[spmem:s22], [sflag:s25] =	dma.local @p0 [hbm:s0], $0x3F00  }
0x81: {  	_ =	swait.ge @p0 [sflag:s26], $0x3F00  }
0x82: {  	[sflag:s26] =	ssyncset.done @p0 $0x0  }
0x83: {  	s0 =	rddreg [dreg:$0x5];
	[sflag:s26] =	ssyncadd.s32 @p0 $0xFFFFC100  }
0x84: {  	[spmem:s21], [sflag:s28] =	dma.local @!p0 [hbm:s0], $0x4000  }
0x85: {  	_ =	swait.ge @!p0 [sflag:s29], $0x4000  }
0x86: {  	[sflag:s29] =	ssyncset.done @!p0 $0x0  }
0x87: {  	[sflag:s29] =	ssyncadd.s32 @!p0 $0xFFFFC000  }
0x88: {  	[bflag:$0x0] =	sbarrier.arrive $0xFFFF  }
0x89: {  	[hbm:s3], [sflag:s30] =	dma.local [spmem:s20], $0x4000  }
0x8a: {  	s0 =	rddreg [dreg:$0x6]  }
0x8b: {  	[hbm:s0], [sflag:s30] =	dma.local [spmem:s19], $0x4000  }
0x8c: {  	s0 =	rddreg [dreg:$0x7]  }
0x8d: {  	[hbm:s0], [sflag:s30] =	dma.local [spmem:s18], $0x4000  }
0x8e: {  	s0 =	rddreg [dreg:$0x8]  }
0x8f: {  	[hbm:s0], [sflag:s30] =	dma.local [spmem:s17], $0x4000  }
0x90: {  	s0 =	rddreg [dreg:$0x9]  }
0x91: {  	[hbm:s0], [sflag:s30] =	dma.local [spmem:s16], $0x4000  }
0x92: {  	s0 =	rddreg [dreg:$0xa]  }
0x93: {  	[hbm:s0], [sflag:s30] =	dma.local [spmem:s15], $0x4000  }
0x94: {  	s0 =	rddreg [dreg:$0xb]  }
0x95: {  	[hbm:s0], [sflag:s30] =	dma.local [spmem:s14], $0x4000  }
0x96: {  	s0 =	rddreg [dreg:$0xc]  }
0x97: {  	[hbm:s0], [sflag:s30] =	dma.local [spmem:s13], $0x4000  }
0x98: {  	s0 =	rddreg [dreg:$0xd]  }
0x99: {  	[hbm:s0], [sflag:s30] =	dma.local [spmem:s12], $0x4000  }
0x9a: {  	s0 =	rddreg [dreg:$0xe]  }
0x9b: {  	[hbm:s0], [sflag:s30] =	dma.local [spmem:s11], $0x4000  }
0x9c: {  	s0 =	rddreg [dreg:$0xf]  }
0x9d: {  	[hbm:s0], [sflag:s30] =	dma.local [spmem:s10], $0x4000  }
0x9e: {  	s0 =	rddreg [dreg:$0x10]  }
0x9f: {  	[hbm:s0], [sflag:s30] =	dma.local [spmem:s9], $0x4000  }
0xa0: {  	s0 =	rddreg [dreg:$0x11]  }
0xa1: {  	[hbm:s0], [sflag:s30] =	dma.local [spmem:s8], $0x4000  }
0xa2: {  	s0 =	rddreg [dreg:$0x12]  }
0xa3: {  	[hbm:s0], [sflag:s30] =	dma.local [spmem:s7], $0x4000  }
0xa4: {  	s0 =	rddreg [dreg:$0x13]  }
0xa5: {  	[hbm:s0], [sflag:s30] =	dma.local [spmem:s5], $0x4000  }
0xa6: {  	[hbm:s4], [sflag:s30] =	dma.local [spmem:s6], $0x4000  }
0xa7: {  	_ =	swait.ge [sflag:s2], $0x4000  }
0xa8: {  	[sflag:s2] =	ssyncset.done $0x0  }
0xa9: {  	[sflag:s2] =	ssyncadd.s32 $0xFFFFC000  }
0xaa: {  	_ =	swait.ge [sflag:s2], $0x4000  }
0xab: {  	[sflag:s2] =	ssyncset.done $0x0  }
0xac: {  	[sflag:s2] =	ssyncadd.s32 $0xFFFFC000  }
0xad: {  	_ =	swait.ge [sflag:s2], $0x4000  }
0xae: {  	[sflag:s2] =	ssyncset.done $0x0  }
0xaf: {  	[sflag:s2] =	ssyncadd.s32 $0xFFFFC000  }
0xb0: {  	_ =	swait.ge [sflag:s2], $0x4000  }
0xb1: {  	[sflag:s2] =	ssyncset.done $0x0  }
0xb2: {  	[sflag:s2] =	ssyncadd.s32 $0xFFFFC000  }
0xb3: {  	_ =	swait.ge [sflag:s2], $0x4000  }
0xb4: {  	[sflag:s2] =	ssyncset.done $0x0  }
0xb5: {  	[sflag:s2] =	ssyncadd.s32 $0xFFFFC000  }
0xb6: {  	_ =	swait.ge [sflag:s2], $0x4000  }
0xb7: {  	[sflag:s2] =	ssyncset.done $0x0  }
0xb8: {  	[sflag:s2] =	ssyncadd.s32 $0xFFFFC000  }
0xb9: {  	_ =	swait.ge [sflag:s2], $0x4000  }
0xba: {  	[sflag:s2] =	ssyncset.done $0x0  }
0xbb: {  	[sflag:s2] =	ssyncadd.s32 $0xFFFFC000  }
0xbc: {  	_ =	swait.ge [sflag:s2], $0x4000  }
0xbd: {  	[sflag:s2] =	ssyncset.done $0x0  }
0xbe: {  	[sflag:s2] =	ssyncadd.s32 $0xFFFFC000  }
0xbf: {  	_ =	swait.ge [sflag:s2], $0x4000  }
0xc0: {  	[sflag:s2] =	ssyncset.done $0x0  }
0xc1: {  	[sflag:s2] =	ssyncadd.s32 $0xFFFFC000  }
0xc2: {  	_ =	swait.ge [sflag:s2], $0x4000  }
0xc3: {  	[sflag:s2] =	ssyncset.done $0x0  }
0xc4: {  	[sflag:s2] =	ssyncadd.s32 $0xFFFFC000  }
0xc5: {  	_ =	swait.ge [sflag:s2], $0x4000  }
0xc6: {  	[sflag:s2] =	ssyncset.done $0x0  }
0xc7: {  	[sflag:s2] =	ssyncadd.s32 $0xFFFFC000  }
0xc8: {  	_ =	swait.ge [sflag:s2], $0x4000  }
0xc9: {  	[sflag:s2] =	ssyncset.done $0x0  }
0xca: {  	[sflag:s2] =	ssyncadd.s32 $0xFFFFC000  }
0xcb: {  	_ =	swait.ge [sflag:s2], $0x4000  }
0xcc: {  	[sflag:s2] =	ssyncset.done $0x0  }
0xcd: {  	[sflag:s2] =	ssyncadd.s32 $0xFFFFC000  }
0xce: {  	_ =	swait.ge [sflag:s2], $0x4000  }
0xcf: {  	s31 =	sadd.s32 $0xFFFFFFFF, s31;
	[sflag:s2] =	ssyncset.done $0x0  }
0xd0: {  	p2 =	sne.s32 s31, $0x0;
	[sflag:s2] =	ssyncadd.s32 $0xFFFFC000  }
.Ltmp2:
0xd1: {  	_ =	swait.ge [sflag:s2], $0x4000;
	(pc) =	sbr.rel @p2 .LBB2_2-.Ltmp2, $4  }
0xd2: {  	[sflag:s2] =	ssyncset.done $0x0  }
0xd3: {  	[sflag:s2] =	ssyncadd.s32 $0xFFFFC000  }
0xd4: {  	_ =	swait.ge [sflag:s2], $0x4000  }
0xd5: {  	s0 =	rddreg [dreg:$0x4];
	[sflag:s2] =	ssyncset.done $0x0  }
.LBB2_3:
0xd6: {  	[sflag:s2] =	ssyncadd.s32 @p1 $0xFFFFC000;
	s24 =	sor.u32 @p0 $0x1C02, s24  }
0xd7: {  	[spmem:s22], [sflag:s24] =	dma.local @p0 [hbm:s0], $0x3F00  }
0xd8: {  	s0 =	simm.s32 @p0 $0x2  }
0xd9: {  	_ =	swait.ge @p0 [sflag:s0], $0x3F00  }
0xda: {  	[sflag:s0] =	ssyncset.done @p0 $0x0  }
0xdb: {  	s22 =	rddreg [dreg:$0x5];
	[sflag:s0] =	ssyncadd.s32 @p0 $0xFFFFC100;
	s0 =	sor.u32 @!p0 $0x1C02, s23  }
0xdc: {  	[spmem:s21], [sflag:s0] =	dma.local @!p0 [hbm:s22], $0x4000  }
0xdd: {  	s0 =	simm.s32 @!p0 $0x2  }
0xde: {  	_ =	swait.ge @!p0 [sflag:s0], $0x4000  }
0xdf: {  	[sflag:s0] =	ssyncset.done @!p0 $0x0  }
0xe0: {  	s31 =	sshll.u32 s1, $0x6;
	[sflag:s0] =	ssyncadd.s32 @!p0 $0xFFFFC000  }
0xe1: {  	s0 =	sor.u32 $0x1C01, s31;
	[bflag:$0x0] =	sbarrier.arrive $0xFFFF  }
0xe2: {  	[hbm:s3], [sflag:s0] =	dma.local [spmem:s20], $0x4000  }
0xe3: {  	s3 =	rddreg [dreg:$0x6]  }
0xe4: {  	[hbm:s3], [sflag:s0] =	dma.local [spmem:s19], $0x4000  }
0xe5: {  	s3 =	rddreg [dreg:$0x7]  }
0xe6: {  	[hbm:s3], [sflag:s0] =	dma.local [spmem:s18], $0x4000  }
0xe7: {  	s3 =	rddreg [dreg:$0x8]  }
0xe8: {  	[hbm:s3], [sflag:s0] =	dma.local [spmem:s17], $0x4000  }
0xe9: {  	s3 =	rddreg [dreg:$0x9]  }
0xea: {  	[hbm:s3], [sflag:s0] =	dma.local [spmem:s16], $0x4000  }
0xeb: {  	s3 =	rddreg [dreg:$0xa]  }
0xec: {  	[hbm:s3], [sflag:s0] =	dma.local [spmem:s15], $0x4000  }
0xed: {  	s3 =	rddreg [dreg:$0xb]  }
0xee: {  	[hbm:s3], [sflag:s0] =	dma.local [spmem:s14], $0x4000  }
0xef: {  	s3 =	rddreg [dreg:$0xc]  }
0xf0: {  	[hbm:s3], [sflag:s0] =	dma.local [spmem:s13], $0x4000  }
0xf1: {  	s3 =	rddreg [dreg:$0xd]  }
0xf2: {  	[hbm:s3], [sflag:s0] =	dma.local [spmem:s12], $0x4000  }
0xf3: {  	s3 =	rddreg [dreg:$0xe]  }
0xf4: {  	[hbm:s3], [sflag:s0] =	dma.local [spmem:s11], $0x4000  }
0xf5: {  	s3 =	rddreg [dreg:$0xf]  }
0xf6: {  	[hbm:s3], [sflag:s0] =	dma.local [spmem:s10], $0x4000  }
0xf7: {  	s3 =	rddreg [dreg:$0x10]  }
0xf8: {  	[hbm:s3], [sflag:s0] =	dma.local [spmem:s9], $0x4000  }
0xf9: {  	s3 =	rddreg [dreg:$0x11]  }
0xfa: {  	[hbm:s3], [sflag:s0] =	dma.local [spmem:s8], $0x4000  }
0xfb: {  	s3 =	rddreg [dreg:$0x12]  }
0xfc: {  	[hbm:s3], [sflag:s0] =	dma.local [spmem:s7], $0x4000  }
0xfd: {  	s3 =	rddreg [dreg:$0x13]  }
0xfe: {  	[hbm:s3], [sflag:s0] =	dma.local [spmem:s5], $0x4000  }
0xff: {  	[hbm:s4], [sflag:s0] =	dma.local [spmem:s6], $0x4000  }
0x100: {  	_ =	swait.ge [sflag:s2], $0x4000  }
0x101: {  	[sflag:s2] =	ssyncset.done $0x0  }
0x102: {  	[sflag:s2] =	ssyncadd.s32 $0xFFFFC000  }
0x103: {  	_ =	swait.ge [sflag:s2], $0x4000  }
0x104: {  	[sflag:s2] =	ssyncset.done $0x0  }
0x105: {  	[sflag:s2] =	ssyncadd.s32 $0xFFFFC000  }
0x106: {  	_ =	swait.ge [sflag:s2], $0x4000  }
0x107: {  	[sflag:s2] =	ssyncset.done $0x0  }
0x108: {  	[sflag:s2] =	ssyncadd.s32 $0xFFFFC000  }
0x109: {  	_ =	swait.ge [sflag:s2], $0x4000  }
0x10a: {  	[sflag:s2] =	ssyncset.done $0x0  }
0x10b: {  	[sflag:s2] =	ssyncadd.s32 $0xFFFFC000  }
0x10c: {  	_ =	swait.ge [sflag:s2], $0x4000  }
0x10d: {  	[sflag:s2] =	ssyncset.done $0x0  }
0x10e: {  	[sflag:s2] =	ssyncadd.s32 $0xFFFFC000  }
0x10f: {  	_ =	swait.ge [sflag:s2], $0x4000  }
0x110: {  	[sflag:s2] =	ssyncset.done $0x0  }
0x111: {  	[sflag:s2] =	ssyncadd.s32 $0xFFFFC000  }
0x112: {  	_ =	swait.ge [sflag:s2], $0x4000  }
0x113: {  	[sflag:s2] =	ssyncset.done $0x0  }
0x114: {  	[sflag:s2] =	ssyncadd.s32 $0xFFFFC000  }
0x115: {  	_ =	swait.ge [sflag:s2], $0x4000  }
0x116: {  	[sflag:s2] =	ssyncset.done $0x0  }
0x117: {  	[sflag:s2] =	ssyncadd.s32 $0xFFFFC000  }
0x118: {  	_ =	swait.ge [sflag:s2], $0x4000  }
0x119: {  	[sflag:s2] =	ssyncset.done $0x0  }
0x11a: {  	[sflag:s2] =	ssyncadd.s32 $0xFFFFC000  }
0x11b: {  	_ =	swait.ge [sflag:s2], $0x4000  }
0x11c: {  	[sflag:s2] =	ssyncset.done $0x0  }
0x11d: {  	[sflag:s2] =	ssyncadd.s32 $0xFFFFC000  }
0x11e: {  	_ =	swait.ge [sflag:s2], $0x4000  }
0x11f: {  	[sflag:s2] =	ssyncset.done $0x0  }
0x120: {  	[sflag:s2] =	ssyncadd.s32 $0xFFFFC000  }
0x121: {  	_ =	swait.ge [sflag:s2], $0x4000  }
0x122: {  	[sflag:s2] =	ssyncset.done $0x0  }
0x123: {  	[sflag:s2] =	ssyncadd.s32 $0xFFFFC000  }
0x124: {  	_ =	swait.ge [sflag:s2], $0x4000  }
0x125: {  	[sflag:s2] =	ssyncset.done $0x0  }
0x126: {  	[sflag:s2] =	ssyncadd.s32 $0xFFFFC000  }
0x127: {  	_ =	swait.ge [sflag:s2], $0x4000  }
0x128: {  	[sflag:s2] =	ssyncset.done $0x0  }
0x129: {  	[sflag:s2] =	ssyncadd.s32 $0xFFFFC000  }
0x12a: {  	_ =	swait.ge [sflag:s2], $0x4000  }
0x12b: {  	[sflag:s2] =	ssyncset.done $0x0  }
0x12c: {  	[sflag:s2] =	ssyncadd.s32 $0xFFFFC000  }
0x12d: {  	_ =	swait.ge [sflag:s2], $0x4000  }
0x12e: {  	[sflag:s2] =	ssyncset.done $0x0  }
0x12f: {  	[sflag:s2] =	ssyncadd.s32 $0xFFFFC000  }
0x130: {  	_ =	sfence.sel $0x180000  }
0x131: {  	[bflag:$0x0] =	sbarrier.arrive $0xFFFF  }
0x132: {  	_ =	strace $0x90000047  }
0x133: {  	[bflag:$0x2] =	sbarrier.arrive $0xFFFF  }
0x134: {  	p0 =	sne.s32 s1, $0x0;
	s0 =	rddreg [dreg:$0x3]  }
0x135: {  	s0 =	sadd.s32 @!p0 $0x100000, s0  }
0x136: {  	[sflag:s0] =	ssyncadd.tile.s32 @!p0 $0x1;
	_ =	shalt  }
.Lfunc_end2:
_tile_overlayer_lowered:
.L_overlay_start_2:
0x137: {  	(tag) =	ssettag $0x2  }
0x138: {  	s0 =	rddreg [dreg:$0x0];
	s2 =	stileid.u32  }
0x139: {  	s1 =	rddreg [dreg:$0x1];
	p0 =	sne.s32 s2, $0x0  }
0x13a: {  	s3 =	rddreg [dreg:$0x2];
	[bflag:$0x3] =	sbarrier.arrive $0xFFFF;
	s2 =	simm.s32 @!p0 $0x1C02  }
0x13b: {  	[timem:s3], [sflag:s2] =	dma.local @!p0 [hbm:s0], s1  }
0x13c: {  	s0 =	simm.s32 @!p0 $0x2  }
0x13d: {  	_ =	swait.ge @!p0 [sflag:s0], s1  }
0x13e: {  	s1 =	ssub.s32 @!p0 $0x0, s1;
	[sflag:s0] =	ssyncset.done @!p0 $0x0  }
0x13f: {  	[sflag:s0] =	ssyncadd.s32 @!p0 s1  }
0x140: {  	[bflag:$0x3] =	sbarrier.arrive $0xFFFF  }
0x141: {  	_ =	shalt  }

</sc_bundles>
